<compile_context>
chip_gen: v7x
topology: tpu7x:2x2x1
jax: 0.10.2.dev20260603
libtpu: 0.0.44.dev20260713+nightly
codegen_flags: <defaults>
</compile_context>

<pallas_src>
import functools

import jax
import jax.numpy as jnp
from jax import lax
from jax.experimental import pallas as pl
from jax.experimental.pallas import tpu as pltpu
from jax.experimental.pallas import tpu_sc as plsc

B, N, M, K = 16, 2048, 2048, 3
M_SC = 512
M_TC = M - M_SC
NC, NS = 2, 16
M_W = M_SC // 2
NV = N // 16


def _tc_kernel(x1_ref, x2t_ref, rowmin_ref, s2_ref, s2acc_ref):
    b = pl.program_id(0)

    x1 = x1_ref[0]
    x2t = x2t_ref[0]

    a0 = x1[:, 0:1]
    a1 = x1[:, 1:2]
    a2 = x1[:, 2:3]
    b0 = x2t[0:1, :]
    b1 = x2t[1:2, :]
    b2 = x2t[2:3, :]

    d0 = a0 - b0
    dist = d0 * d0
    d1 = a1 - b1
    dist = d1 * d1 + dist
    d2 = a2 - b2
    dist = d2 * d2 + dist

    rowmin_ref[0, 0, :] = jnp.min(dist, axis=1)
    col_min = jnp.min(dist, axis=0, keepdims=True)

    @pl.when(b == 0)
    def _init():
        s2acc_ref[0] = 0.0

    s2acc_ref[0] += jnp.sum(col_min)

    @pl.when(b == B - 1)
    def _finish():
        s2_ref[0, 0] = s2acc_ref[0]


def _sc_kernel(x1t_hbm, x2t_hbm, rowmin_hbm, colmin_hbm,
               x1_v, x2_v, rm_v, cm_v):
    c = lax.axis_index("c")
    s = lax.axis_index("s")
    b = s
    h = c

    pltpu.sync_copy(x1t_hbm.at[b], x1_v)
    pltpu.sync_copy(x2t_hbm.at[b, :, pl.ds(M_TC + h * M_W, M_W)],
                    x2_v)

    inf16 = jnp.full((16,), jnp.inf, jnp.float32)

    def init_rm(i, carry):
        rm_v[pl.ds(i * 16, 16)] = inf16
        return carry

    lax.fori_loop(0, NV, init_rm, 0)

    def mg_body(mg, carry):
        msl = pl.ds(mg * 16, 16)
        b0v = x2_v[0, msl]
        b1v = x2_v[1, msl]
        b2v = x2_v[2, msl]
        for jj in range(2):
            bs = [(b0v[jj * 8 + t], b1v[jj * 8 + t], b2v[jj * 8 + t])
                  for t in range(8)]

            @plsc.parallel_loop(0, NV, 1, unroll=4,
                                carry=(inf16,) * 8)
            def cmins(i, cmins):
                sl = pl.ds(i * 16, 16)
                a0 = x1_v[0, sl]
                a1 = x1_v[1, sl]
                a2 = x1_v[2, sl]
                ds = []
                for t in range(8):
                    b0, b1, b2 = bs[t]
                    d0 = a0 - b0
                    d1 = a1 - b1
                    d2 = a2 - b2
                    ds.append(d0 * d0 + d1 * d1 + d2 * d2)
                m03 = jnp.minimum(jnp.minimum(ds[0], ds[1]),
                                  jnp.minimum(ds[2], ds[3]))
                m47 = jnp.minimum(jnp.minimum(ds[4], ds[5]),
                                  jnp.minimum(ds[6], ds[7]))
                rm_v[sl] = jnp.minimum(rm_v[sl], jnp.minimum(m03, m47))
                return tuple(jnp.minimum(c, d) for c, d in zip(cmins, ds))
            for t in range(8):
                cm_v[pl.ds((mg * 16 + jj * 8 + t) * 16, 16)] = cmins[t]
        return carry

    lax.fori_loop(0, M_W // 16, mg_body, 0)

    wid = s * NC + c
    pltpu.sync_copy(rm_v, rowmin_hbm.at[wid])
    pltpu.sync_copy(cm_v, colmin_hbm.at[wid])


_sc_chamfer = functools.partial(
    pl.kernel,
    out_type=[
        jax.ShapeDtypeStruct((NC * NS, N), jnp.float32),
        jax.ShapeDtypeStruct((NC * NS, M_W * 16), jnp.float32),
    ],
    mesh=plsc.VectorSubcoreMesh(core_axis_name="c", subcore_axis_name="s"),
    scratch_types=[
        pltpu.VMEM((K, N), jnp.float32),
        pltpu.VMEM((K, M_W), jnp.float32),
        pltpu.VMEM((N,), jnp.float32),
        pltpu.VMEM((M_W * 16,), jnp.float32),
    ],
)(_sc_kernel)


@jax.jit
def kernel(xyz1, xyz2):
    x1t = jnp.transpose(xyz1, (0, 2, 1))
    x2t = jnp.transpose(xyz2, (0, 2, 1))

    rm_sc, cm_sc = _sc_chamfer(x1t, x2t)

    rowmin_tc, s2_tc = pl.pallas_call(
        _tc_kernel,
        grid=(B,),
        in_specs=[
            pl.BlockSpec((1, N, K), lambda b: (b, 0, 0)),
            pl.BlockSpec((1, K, M_TC), lambda b: (b, 0, 0)),
        ],
        out_specs=[
            pl.BlockSpec((1, 1, N), lambda b: (b, 0, 0)),
            pl.BlockSpec((1, 1), lambda b: (0, 0), memory_space=pltpu.SMEM),
        ],
        out_shape=[
            jax.ShapeDtypeStruct((B, 1, N), jnp.float32),
            jax.ShapeDtypeStruct((1, 1), jnp.float32),
        ],
        scratch_shapes=[pltpu.SMEM((1,), jnp.float32)],
    )(xyz1, x2t[:, :, :M_TC])

    rm_sc2 = jnp.min(rm_sc.reshape(B, 2, N), axis=1)
    row_min = jnp.minimum(rowmin_tc[:, 0, :], rm_sc2)
    s1 = jnp.sum(row_min)
    s2 = s2_tc[0, 0] + jnp.sum(jnp.min(cm_sc.reshape(-1, M_W, 16), axis=2))
    return s1 / (B * N) + s2 / (B * M)

# --- scband reference (transcript-rebuilt; emitter-appended) ---
"""Pipeline reference for scband-chamfer-loss-60756607369675 (READ-ONLY COPY).

The authoritative reference and input builder live on the scoring server;
editing this copy changes nothing except your own understanding.
"""

import jax, jax.numpy as jnp
import numpy as np

def setup_inputs(seed: int = 0) -> dict:
    key = jax.random.key(seed)
    k1, k2 = jax.random.split(key)
    xyz1 = jax.random.normal(k1, (16, 2048, 3), dtype=jnp.float32)
    xyz2 = jax.random.normal(k2, (16, 2048, 3), dtype=jnp.float32)
    return {"xyz1": xyz1, "xyz2": xyz2}

def reference(xyz1, xyz2):
    # dist[b, n, m] = sum_k (xyz1[b,n,k] - xyz2[b,m,k])**2
    d = xyz1[:, :, None, :] - xyz2[:, None, :, :]
    dist = jnp.sum(d ** 2, axis=-1)
    dist1 = jnp.min(dist, axis=2)  # (B, N) nearest in xyz2 for each point in xyz1
    dist2 = jnp.min(dist, axis=1)  # (B, M) nearest in xyz1 for each point in xyz2
    return jnp.mean(dist1) + jnp.mean(dist2)

if __name__ == "__main__":
    import jax
    _d = setup_inputs()
    print(jax.jit(kernel)(*tuple(_d.values())))

</pallas_src>

<mosaic_0001>
#map = affine_map<(d0, d1) -> (0, 0, 0)>
#map1 = affine_map<(d0, d1) -> (0, 0)>
module attributes {stable_mosaic.version = 14 : i64} {
  func.func @_sc_kernel(%arg0: i32, %arg1: i32, %arg2: memref<16x3x2048xf32, #tpu.memory_space<hbm>>, %arg3: memref<16x3x2048xf32, #tpu.memory_space<hbm>>, %arg4: memref<32x2048xf32, #tpu.memory_space<hbm>>, %arg5: memref<32x4096xf32, #tpu.memory_space<hbm>>, %arg6: memref<3x2048xf32, #tpu.memory_space<vmem>>, %arg7: memref<3x256xf32, #tpu.memory_space<vmem>>, %arg8: memref<2048xf32, #tpu.memory_space<vmem>>, %arg9: memref<4096xf32, #tpu.memory_space<vmem>>) attributes {dimension_semantics = [#tpu.dimension_semantics<core_parallel>, #tpu.dimension_semantics<subcore_parallel>], iteration_bounds = array<i64: 2, 16>, scalar_prefetch = 0 : i64, scratch_operands = 4 : i64, tpu.core_type = #tpu.core_type<sc_vector_subcore>, window_params = [{transform_indices = #map}, {transform_indices = #map}, {transform_indices = #map1}, {transform_indices = #map1}]} {
    "tpu.region"() ({
      %run_scoped3A = tpu.sem_alloc : memref<!tpu.dma_semaphore, #tpu.memory_space<semaphore_mem>>
      %dma_start3A = arith.constant 0 : i32
      %dma_start3A_17 = arith.constant 0 : i32
      %dma_start3A_18 = tpu.memref_slice %arg2[%arg1, %dma_start3A, %dma_start3A_17] : memref<16x3x2048xf32, #tpu.memory_space<hbm>> -> memref<1x3x2048xf32, #tpu.memory_space<hbm>>
      %dma_start3A_19 = tpu.memref_squeeze %dma_start3A_18 : memref<1x3x2048xf32, #tpu.memory_space<hbm>> -> memref<3x2048xf32, #tpu.memory_space<hbm>>
      %dma_start3A_20 = arith.constant 0 : i32
      %dma_start3A_21 = arith.constant 0 : i32
      %dma_start3A_22 = tpu.memref_slice %arg2[%arg1, %dma_start3A_20, %dma_start3A_21] : memref<16x3x2048xf32, #tpu.memory_space<hbm>> -> memref<1x3x2048xf32, #tpu.memory_space<hbm>>
      %dma_start3A_23 = tpu.memref_squeeze %dma_start3A_22 : memref<1x3x2048xf32, #tpu.memory_space<hbm>> -> memref<3x2048xf32, #tpu.memory_space<hbm>>
      tpu.enqueue_dma source(%dma_start3A_23 : memref<3x2048xf32, #tpu.memory_space<hbm>>) target(%arg6 : memref<3x2048xf32, #tpu.memory_space<vmem>>) target_semaphore(%run_scoped3A : memref<!tpu.dma_semaphore, #tpu.memory_space<semaphore_mem>>)
      %dma_wait3A = arith.constant 0 : i32
      %dma_wait3A_24 = arith.constant 0 : i32
      %dma_wait3A_25 = tpu.memref_slice %arg2[%arg1, %dma_wait3A, %dma_wait3A_24] : memref<16x3x2048xf32, #tpu.memory_space<hbm>> -> memref<1x3x2048xf32, #tpu.memory_space<hbm>>
      %dma_wait3A_26 = tpu.memref_squeeze %dma_wait3A_25 : memref<1x3x2048xf32, #tpu.memory_space<hbm>> -> memref<3x2048xf32, #tpu.memory_space<hbm>>
      %dma_wait3A_27 = arith.constant 0 : i32
      %dma_wait3A_28 = arith.constant 0 : i32
      %dma_wait3A_29 = tpu.memref_slice %arg2[%arg1, %dma_wait3A_27, %dma_wait3A_28] : memref<16x3x2048xf32, #tpu.memory_space<hbm>> -> memref<1x3x2048xf32, #tpu.memory_space<hbm>>
      %dma_wait3A_30 = tpu.memref_squeeze %dma_wait3A_29 : memref<1x3x2048xf32, #tpu.memory_space<hbm>> -> memref<3x2048xf32, #tpu.memory_space<hbm>>
      tpu.wait_dma2 semaphore(%run_scoped3A : memref<!tpu.dma_semaphore, #tpu.memory_space<semaphore_mem>>) src(%dma_wait3A_30 : memref<3x2048xf32, #tpu.memory_space<hbm>>) dst(%arg6 : memref<3x2048xf32, #tpu.memory_space<vmem>>)
      tpu.yield
    }) : () -> ()
    %mul3A = arith.constant 256 : i32
    %mul3A_0 = arith.muli %arg0, %mul3A : i32
    %add3A = arith.constant 1536 : i32
    %add3A_1 = arith.addi %add3A, %mul3A_0 : i32
    "tpu.region"() ({
      %run_scoped3A = tpu.sem_alloc : memref<!tpu.dma_semaphore, #tpu.memory_space<semaphore_mem>>
      %dma_start3A = arith.constant 0 : i32
      %dma_start3A_17 = tpu.memref_slice %arg3[%arg1, %dma_start3A, %add3A_1] : memref<16x3x2048xf32, #tpu.memory_space<hbm>> -> memref<1x3x256xf32, #tpu.memory_space<hbm>>
      %dma_start3A_18 = tpu.memref_squeeze %dma_start3A_17 : memref<1x3x256xf32, #tpu.memory_space<hbm>> -> memref<3x256xf32, #tpu.memory_space<hbm>>
      %dma_start3A_19 = arith.constant 0 : i32
      %dma_start3A_20 = tpu.memref_slice %arg3[%arg1, %dma_start3A_19, %add3A_1] : memref<16x3x2048xf32, #tpu.memory_space<hbm>> -> memref<1x3x256xf32, #tpu.memory_space<hbm>>
      %dma_start3A_21 = tpu.memref_squeeze %dma_start3A_20 : memref<1x3x256xf32, #tpu.memory_space<hbm>> -> memref<3x256xf32, #tpu.memory_space<hbm>>
      tpu.enqueue_dma source(%dma_start3A_21 : memref<3x256xf32, #tpu.memory_space<hbm>>) target(%arg7 : memref<3x256xf32, #tpu.memory_space<vmem>>) target_semaphore(%run_scoped3A : memref<!tpu.dma_semaphore, #tpu.memory_space<semaphore_mem>>)
      %dma_wait3A = arith.constant 0 : i32
      %dma_wait3A_22 = tpu.memref_slice %arg3[%arg1, %dma_wait3A, %add3A_1] : memref<16x3x2048xf32, #tpu.memory_space<hbm>> -> memref<1x3x256xf32, #tpu.memory_space<hbm>>
      %dma_wait3A_23 = tpu.memref_squeeze %dma_wait3A_22 : memref<1x3x256xf32, #tpu.memory_space<hbm>> -> memref<3x256xf32, #tpu.memory_space<hbm>>
      %dma_wait3A_24 = arith.constant 0 : i32
      %dma_wait3A_25 = tpu.memref_slice %arg3[%arg1, %dma_wait3A_24, %add3A_1] : memref<16x3x2048xf32, #tpu.memory_space<hbm>> -> memref<1x3x256xf32, #tpu.memory_space<hbm>>
      %dma_wait3A_26 = tpu.memref_squeeze %dma_wait3A_25 : memref<1x3x256xf32, #tpu.memory_space<hbm>> -> memref<3x256xf32, #tpu.memory_space<hbm>>
      tpu.wait_dma2 semaphore(%run_scoped3A : memref<!tpu.dma_semaphore, #tpu.memory_space<semaphore_mem>>) src(%dma_wait3A_26 : memref<3x256xf32, #tpu.memory_space<hbm>>) dst(%arg7 : memref<3x256xf32, #tpu.memory_space<vmem>>)
      tpu.yield
    }) : () -> ()
    %broadcast_in_dim3A = arith.constant 0x7F800000 : f32
    %broadcast_in_dim3A_2 = vector.broadcast %broadcast_in_dim3A : f32 to vector<16xf32>
    %scan3A = arith.constant 0 : i32
    %scan3A_3 = arith.constant 0 : i32
    %scan3A_4 = arith.constant 128 : i32
    %scan3A_5 = arith.addi %scan3A_3, %scan3A_4 : i32
    %scan3A_6 = arith.constant 1 : i32
    scf.for %scan3A_17 = %scan3A_3 to %scan3A_5 step %scan3A_6  : i32 {
      %mul3A_18 = arith.constant 16 : i32
      %mul3A_19 = arith.muli %scan3A_17, %mul3A_18 : i32
      %swap3A = arith.index_cast %mul3A_19 : i32 to index
      %swap3A_20 = tpu.vector_load %arg8[%swap3A] {strides = array<i32>} : memref<2048xf32, #tpu.memory_space<vmem>>, vector<16xf32>,
      %swap3A_21 = vector.shape_cast %swap3A_20 : vector<16xf32> to vector<16xf32>
      %swap3A_22 = vector.shape_cast %broadcast_in_dim3A_2 : vector<16xf32> to vector<16xf32>
      tpu.vector_store %arg8[%swap3A], %swap3A_22 {strides = array<i32>} : memref<2048xf32, #tpu.memory_space<vmem>>, vector<16xf32>,
    }
    %scan3A_7 = arith.constant 128 : i32
    %scan3A_8 = arith.constant 0 : i32
    %scan3A_9 = arith.constant 0 : i32
    %scan3A_10 = arith.constant 16 : i32
    %scan3A_11 = arith.addi %scan3A_9, %scan3A_10 : i32
    %scan3A_12 = arith.constant 1 : i32
    scf.for %scan3A_17 = %scan3A_9 to %scan3A_11 step %scan3A_12  : i32 {
      %mul3A_18 = arith.constant 16 : i32
      %mul3A_19 = arith.muli %scan3A_17, %mul3A_18 : i32
      %get3A = arith.constant 0 : i32
      %get3A_20 = arith.index_cast %get3A : i32 to index
      %get3A_21 = arith.index_cast %mul3A_19 : i32 to index
      %get3A_22 = tpu.vector_load %arg7[%get3A_20, %get3A_21] {strides = array<i32>} : memref<3x256xf32, #tpu.memory_space<vmem>>, vector<1x16xf32>,
      %get3A_23 = vector.shape_cast %get3A_22 : vector<1x16xf32> to vector<16xf32>
      %get3A_24 = arith.constant 1 : i32
      %get3A_25 = arith.index_cast %get3A_24 : i32 to index
      %get3A_26 = arith.index_cast %mul3A_19 : i32 to index
      %get3A_27 = tpu.vector_load %arg7[%get3A_25, %get3A_26] {strides = array<i32>} : memref<3x256xf32, #tpu.memory_space<vmem>>, vector<1x16xf32>,
      %get3A_28 = vector.shape_cast %get3A_27 : vector<1x16xf32> to vector<16xf32>
      %get3A_29 = arith.constant 2 : i32
      %get3A_30 = arith.index_cast %get3A_29 : i32 to index
      %get3A_31 = arith.index_cast %mul3A_19 : i32 to index
      %get3A_32 = tpu.vector_load %arg7[%get3A_30, %get3A_31] {strides = array<i32>} : memref<3x256xf32, #tpu.memory_space<vmem>>, vector<1x16xf32>,
      %get3A_33 = vector.shape_cast %get3A_32 : vector<1x16xf32> to vector<16xf32>
      %slice3A = vector.extract_strided_slice %get3A_23 {offsets = [0], sizes = [1], strides = [1]} : vector<16xf32> to vector<1xf32>
      %squeeze3A = vector.extract %slice3A[0] : f32 from vector<1xf32>
      %slice3A_34 = vector.extract_strided_slice %get3A_28 {offsets = [0], sizes = [1], strides = [1]} : vector<16xf32> to vector<1xf32>
      %squeeze3A_35 = vector.extract %slice3A_34[0] : f32 from vector<1xf32>
      %slice3A_36 = vector.extract_strided_slice %get3A_33 {offsets = [0], sizes = [1], strides = [1]} : vector<16xf32> to vector<1xf32>
      %squeeze3A_37 = vector.extract %slice3A_36[0] : f32 from vector<1xf32>
      %slice3A_38 = vector.extract_strided_slice %get3A_23 {offsets = [1], sizes = [1], strides = [1]} : vector<16xf32> to vector<1xf32>
      %squeeze3A_39 = vector.extract %slice3A_38[0] : f32 from vector<1xf32>
      %slice3A_40 = vector.extract_strided_slice %get3A_28 {offsets = [1], sizes = [1], strides = [1]} : vector<16xf32> to vector<1xf32>
      %squeeze3A_41 = vector.extract %slice3A_40[0] : f32 from vector<1xf32>
      %slice3A_42 = vector.extract_strided_slice %get3A_33 {offsets = [1], sizes = [1], strides = [1]} : vector<16xf32> to vector<1xf32>
      %squeeze3A_43 = vector.extract %slice3A_42[0] : f32 from vector<1xf32>
      %slice3A_44 = vector.extract_strided_slice %get3A_23 {offsets = [2], sizes = [1], strides = [1]} : vector<16xf32> to vector<1xf32>
      %squeeze3A_45 = vector.extract %slice3A_44[0] : f32 from vector<1xf32>
      %slice3A_46 = vector.extract_strided_slice %get3A_28 {offsets = [2], sizes = [1], strides = [1]} : vector<16xf32> to vector<1xf32>
      %squeeze3A_47 = vector.extract %slice3A_46[0] : f32 from vector<1xf32>
      %slice3A_48 = vector.extract_strided_slice %get3A_33 {offsets = [2], sizes = [1], strides = [1]} : vector<16xf32> to vector<1xf32>
      %squeeze3A_49 = vector.extract %slice3A_48[0] : f32 from vector<1xf32>
      %slice3A_50 = vector.extract_strided_slice %get3A_23 {offsets = [3], sizes = [1], strides = [1]} : vector<16xf32> to vector<1xf32>
      %squeeze3A_51 = vector.extract %slice3A_50[0] : f32 from vector<1xf32>
      %slice3A_52 = vector.extract_strided_slice %get3A_28 {offsets = [3], sizes = [1], strides = [1]} : vector<16xf32> to vector<1xf32>
      %squeeze3A_53 = vector.extract %slice3A_52[0] : f32 from vector<1xf32>
      %slice3A_54 = vector.extract_strided_slice %get3A_33 {offsets = [3], sizes = [1], strides = [1]} : vector<16xf32> to vector<1xf32>
      %squeeze3A_55 = vector.extract %slice3A_54[0] : f32 from vector<1xf32>
      %slice3A_56 = vector.extract_strided_slice %get3A_23 {offsets = [4], sizes = [1], strides = [1]} : vector<16xf32> to vector<1xf32>
      %squeeze3A_57 = vector.extract %slice3A_56[0] : f32 from vector<1xf32>
      %slice3A_58 = vector.extract_strided_slice %get3A_28 {offsets = [4], sizes = [1], strides = [1]} : vector<16xf32> to vector<1xf32>
      %squeeze3A_59 = vector.extract %slice3A_58[0] : f32 from vector<1xf32>
      %slice3A_60 = vector.extract_strided_slice %get3A_33 {offsets = [4], sizes = [1], strides = [1]} : vector<16xf32> to vector<1xf32>
      %squeeze3A_61 = vector.extract %slice3A_60[0] : f32 from vector<1xf32>
      %slice3A_62 = vector.extract_strided_slice %get3A_23 {offsets = [5], sizes = [1], strides = [1]} : vector<16xf32> to vector<1xf32>
      %squeeze3A_63 = vector.extract %slice3A_62[0] : f32 from vector<1xf32>
      %slice3A_64 = vector.extract_strided_slice %get3A_28 {offsets = [5], sizes = [1], strides = [1]} : vector<16xf32> to vector<1xf32>
      %squeeze3A_65 = vector.extract %slice3A_64[0] : f32 from vector<1xf32>
      %slice3A_66 = vector.extract_strided_slice %get3A_33 {offsets = [5], sizes = [1], strides = [1]} : vector<16xf32> to vector<1xf32>
      %squeeze3A_67 = vector.extract %slice3A_66[0] : f32 from vector<1xf32>
      %slice3A_68 = vector.extract_strided_slice %get3A_23 {offsets = [6], sizes = [1], strides = [1]} : vector<16xf32> to vector<1xf32>
      %squeeze3A_69 = vector.extract %slice3A_68[0] : f32 from vector<1xf32>
      %slice3A_70 = vector.extract_strided_slice %get3A_28 {offsets = [6], sizes = [1], strides = [1]} : vector<16xf32> to vector<1xf32>
      %squeeze3A_71 = vector.extract %slice3A_70[0] : f32 from vector<1xf32>
      %slice3A_72 = vector.extract_strided_slice %get3A_33 {offsets = [6], sizes = [1], strides = [1]} : vector<16xf32> to vector<1xf32>
      %squeeze3A_73 = vector.extract %slice3A_72[0] : f32 from vector<1xf32>
      %slice3A_74 = vector.extract_strided_slice %get3A_23 {offsets = [7], sizes = [1], strides = [1]} : vector<16xf32> to vector<1xf32>
      %squeeze3A_75 = vector.extract %slice3A_74[0] : f32 from vector<1xf32>
      %slice3A_76 = vector.extract_strided_slice %get3A_28 {offsets = [7], sizes = [1], strides = [1]} : vector<16xf32> to vector<1xf32>
      %squeeze3A_77 = vector.extract %slice3A_76[0] : f32 from vector<1xf32>
      %slice3A_78 = vector.extract_strided_slice %get3A_33 {offsets = [7], sizes = [1], strides = [1]} : vector<16xf32> to vector<1xf32>
      %squeeze3A_79 = vector.extract %slice3A_78[0] : f32 from vector<1xf32>
      %parallel_loop3A = arith.constant 0 : i32
      %parallel_loop3A_80 = arith.constant 128 : i32
      %parallel_loop3A_81 = arith.constant 1 : i32
      %parallel_loop3A_82:8 = scf.for %parallel_loop3A_326 = %parallel_loop3A to %parallel_loop3A_80 step %parallel_loop3A_81 iter_args(%parallel_loop3A_327 = %broadcast_in_dim3A_2, %parallel_loop3A_328 = %broadcast_in_dim3A_2, %parallel_loop3A_329 = %broadcast_in_dim3A_2, %parallel_loop3A_330 = %broadcast_in_dim3A_2, %parallel_loop3A_331 = %broadcast_in_dim3A_2, %parallel_loop3A_332 = %broadcast_in_dim3A_2, %parallel_loop3A_333 = %broadcast_in_dim3A_2, %parallel_loop3A_334 = %broadcast_in_dim3A_2) -> (vector<16xf32>, vector<16xf32>, vector<16xf32>, vector<16xf32>, vector<16xf32>, vector<16xf32>, vector<16xf32>, vector<16xf32>)  : i32 {
        %parallel_loop3A_335 = arith.constant 16 : i32
        %parallel_loop3A_336 = arith.muli %parallel_loop3A_326, %parallel_loop3A_335 : i32
        %parallel_loop3A_337 = arith.constant 0 : i32
        %parallel_loop3A_338 = arith.index_cast %parallel_loop3A_337 : i32 to index
        %parallel_loop3A_339 = arith.index_cast %parallel_loop3A_336 : i32 to index
        %parallel_loop3A_340 = tpu.vector_load %arg6[%parallel_loop3A_338, %parallel_loop3A_339] {strides = array<i32>} : memref<3x2048xf32, #tpu.memory_space<vmem>>, vector<1x16xf32>,
        %parallel_loop3A_341 = vector.shape_cast %parallel_loop3A_340 : vector<1x16xf32> to vector<16xf32>
        %parallel_loop3A_342 = arith.constant 1 : i32
        %parallel_loop3A_343 = arith.index_cast %parallel_loop3A_342 : i32 to index
        %parallel_loop3A_344 = arith.index_cast %parallel_loop3A_336 : i32 to index
        %parallel_loop3A_345 = tpu.vector_load %arg6[%parallel_loop3A_343, %parallel_loop3A_344] {strides = array<i32>} : memref<3x2048xf32, #tpu.memory_space<vmem>>, vector<1x16xf32>,
        %parallel_loop3A_346 = vector.shape_cast %parallel_loop3A_345 : vector<1x16xf32> to vector<16xf32>
        %parallel_loop3A_347 = arith.constant 2 : i32
        %parallel_loop3A_348 = arith.index_cast %parallel_loop3A_347 : i32 to index
        %parallel_loop3A_349 = arith.index_cast %parallel_loop3A_336 : i32 to index
        %parallel_loop3A_350 = tpu.vector_load %arg6[%parallel_loop3A_348, %parallel_loop3A_349] {strides = array<i32>} : memref<3x2048xf32, #tpu.memory_space<vmem>>, vector<1x16xf32>,
        %parallel_loop3A_351 = vector.shape_cast %parallel_loop3A_350 : vector<1x16xf32> to vector<16xf32>
        %parallel_loop3A_352 = vector.broadcast %squeeze3A : f32 to vector<16xf32>
        %parallel_loop3A_353 = arith.subf %parallel_loop3A_341, %parallel_loop3A_352 : vector<16xf32>
        %parallel_loop3A_354 = vector.broadcast %squeeze3A_35 : f32 to vector<16xf32>
        %parallel_loop3A_355 = arith.subf %parallel_loop3A_346, %parallel_loop3A_354 : vector<16xf32>
        %parallel_loop3A_356 = vector.broadcast %squeeze3A_37 : f32 to vector<16xf32>
        %parallel_loop3A_357 = arith.subf %parallel_loop3A_351, %parallel_loop3A_356 : vector<16xf32>
        %parallel_loop3A_358 = arith.mulf %parallel_loop3A_353, %parallel_loop3A_353 : vector<16xf32>
        %parallel_loop3A_359 = arith.mulf %parallel_loop3A_355, %parallel_loop3A_355 : vector<16xf32>
        %parallel_loop3A_360 = arith.addf %parallel_loop3A_358, %parallel_loop3A_359 : vector<16xf32>
        %parallel_loop3A_361 = arith.mulf %parallel_loop3A_357, %parallel_loop3A_357 : vector<16xf32>
        %parallel_loop3A_362 = arith.addf %parallel_loop3A_360, %parallel_loop3A_361 : vector<16xf32>
        %parallel_loop3A_363 = vector.broadcast %squeeze3A_39 : f32 to vector<16xf32>
        %parallel_loop3A_364 = arith.subf %parallel_loop3A_341, %parallel_loop3A_363 : vector<16xf32>
        %parallel_loop3A_365 = vector.broadcast %squeeze3A_41 : f32 to vector<16xf32>
        %parallel_loop3A_366 = arith.subf %parallel_loop3A_346, %parallel_loop3A_365 : vector<16xf32>
        %parallel_loop3A_367 = vector.broadcast %squeeze3A_43 : f32 to vector<16xf32>
        %parallel_loop3A_368 = arith.subf %parallel_loop3A_351, %parallel_loop3A_367 : vector<16xf32>
        %parallel_loop3A_369 = arith.mulf %parallel_loop3A_364, %parallel_loop3A_364 : vector<16xf32>
        %parallel_loop3A_370 = arith.mulf %parallel_loop3A_366, %parallel_loop3A_366 : vector<16xf32>
        %parallel_loop3A_371 = arith.addf %parallel_loop3A_369, %parallel_loop3A_370 : vector<16xf32>
        %parallel_loop3A_372 = arith.mulf %parallel_loop3A_368, %parallel_loop3A_368 : vector<16xf32>
        %parallel_loop3A_373 = arith.addf %parallel_loop3A_371, %parallel_loop3A_372 : vector<16xf32>
        %parallel_loop3A_374 = vector.broadcast %squeeze3A_45 : f32 to vector<16xf32>
        %parallel_loop3A_375 = arith.subf %parallel_loop3A_341, %parallel_loop3A_374 : vector<16xf32>
        %parallel_loop3A_376 = vector.broadcast %squeeze3A_47 : f32 to vector<16xf32>
        %parallel_loop3A_377 = arith.subf %parallel_loop3A_346, %parallel_loop3A_376 : vector<16xf32>
        %parallel_loop3A_378 = vector.broadcast %squeeze3A_49 : f32 to vector<16xf32>
        %parallel_loop3A_379 = arith.subf %parallel_loop3A_351, %parallel_loop3A_378 : vector<16xf32>
        %parallel_loop3A_380 = arith.mulf %parallel_loop3A_375, %parallel_loop3A_375 : vector<16xf32>
        %parallel_loop3A_381 = arith.mulf %parallel_loop3A_377, %parallel_loop3A_377 : vector<16xf32>
        %parallel_loop3A_382 = arith.addf %parallel_loop3A_380, %parallel_loop3A_381 : vector<16xf32>
        %parallel_loop3A_383 = arith.mulf %parallel_loop3A_379, %parallel_loop3A_379 : vector<16xf32>
        %parallel_loop3A_384 = arith.addf %parallel_loop3A_382, %parallel_loop3A_383 : vector<16xf32>
        %parallel_loop3A_385 = vector.broadcast %squeeze3A_51 : f32 to vector<16xf32>
        %parallel_loop3A_386 = arith.subf %parallel_loop3A_341, %parallel_loop3A_385 : vector<16xf32>
        %parallel_loop3A_387 = vector.broadcast %squeeze3A_53 : f32 to vector<16xf32>
        %parallel_loop3A_388 = arith.subf %parallel_loop3A_346, %parallel_loop3A_387 : vector<16xf32>
        %parallel_loop3A_389 = vector.broadcast %squeeze3A_55 : f32 to vector<16xf32>
        %parallel_loop3A_390 = arith.subf %parallel_loop3A_351, %parallel_loop3A_389 : vector<16xf32>
        %parallel_loop3A_391 = arith.mulf %parallel_loop3A_386, %parallel_loop3A_386 : vector<16xf32>
        %parallel_loop3A_392 = arith.mulf %parallel_loop3A_388, %parallel_loop3A_388 : vector<16xf32>
        %parallel_loop3A_393 = arith.addf %parallel_loop3A_391, %parallel_loop3A_392 : vector<16xf32>
        %parallel_loop3A_394 = arith.mulf %parallel_loop3A_390, %parallel_loop3A_390 : vector<16xf32>
        %parallel_loop3A_395 = arith.addf %parallel_loop3A_393, %parallel_loop3A_394 : vector<16xf32>
        %parallel_loop3A_396 = vector.broadcast %squeeze3A_57 : f32 to vector<16xf32>
        %parallel_loop3A_397 = arith.subf %parallel_loop3A_341, %parallel_loop3A_396 : vector<16xf32>
        %parallel_loop3A_398 = vector.broadcast %squeeze3A_59 : f32 to vector<16xf32>
        %parallel_loop3A_399 = arith.subf %parallel_loop3A_346, %parallel_loop3A_398 : vector<16xf32>
        %parallel_loop3A_400 = vector.broadcast %squeeze3A_61 : f32 to vector<16xf32>
        %parallel_loop3A_401 = arith.subf %parallel_loop3A_351, %parallel_loop3A_400 : vector<16xf32>
        %parallel_loop3A_402 = arith.mulf %parallel_loop3A_397, %parallel_loop3A_397 : vector<16xf32>
        %parallel_loop3A_403 = arith.mulf %parallel_loop3A_399, %parallel_loop3A_399 : vector<16xf32>
        %parallel_loop3A_404 = arith.addf %parallel_loop3A_402, %parallel_loop3A_403 : vector<16xf32>
        %parallel_loop3A_405 = arith.mulf %parallel_loop3A_401, %parallel_loop3A_401 : vector<16xf32>
        %parallel_loop3A_406 = arith.addf %parallel_loop3A_404, %parallel_loop3A_405 : vector<16xf32>
        %parallel_loop3A_407 = vector.broadcast %squeeze3A_63 : f32 to vector<16xf32>
        %parallel_loop3A_408 = arith.subf %parallel_loop3A_341, %parallel_loop3A_407 : vector<16xf32>
        %parallel_loop3A_409 = vector.broadcast %squeeze3A_65 : f32 to vector<16xf32>
        %parallel_loop3A_410 = arith.subf %parallel_loop3A_346, %parallel_loop3A_409 : vector<16xf32>
        %parallel_loop3A_411 = vector.broadcast %squeeze3A_67 : f32 to vector<16xf32>
        %parallel_loop3A_412 = arith.subf %parallel_loop3A_351, %parallel_loop3A_411 : vector<16xf32>
        %parallel_loop3A_413 = arith.mulf %parallel_loop3A_408, %parallel_loop3A_408 : vector<16xf32>
        %parallel_loop3A_414 = arith.mulf %parallel_loop3A_410, %parallel_loop3A_410 : vector<16xf32>
        %parallel_loop3A_415 = arith.addf %parallel_loop3A_413, %parallel_loop3A_414 : vector<16xf32>
        %parallel_loop3A_416 = arith.mulf %parallel_loop3A_412, %parallel_loop3A_412 : vector<16xf32>
        %parallel_loop3A_417 = arith.addf %parallel_loop3A_415, %parallel_loop3A_416 : vector<16xf32>
        %parallel_loop3A_418 = vector.broadcast %squeeze3A_69 : f32 to vector<16xf32>
        %parallel_loop3A_419 = arith.subf %parallel_loop3A_341, %parallel_loop3A_418 : vector<16xf32>
        %parallel_loop3A_420 = vector.broadcast %squeeze3A_71 : f32 to vector<16xf32>
        %parallel_loop3A_421 = arith.subf %parallel_loop3A_346, %parallel_loop3A_420 : vector<16xf32>
        %parallel_loop3A_422 = vector.broadcast %squeeze3A_73 : f32 to vector<16xf32>
        %parallel_loop3A_423 = arith.subf %parallel_loop3A_351, %parallel_loop3A_422 : vector<16xf32>
        %parallel_loop3A_424 = arith.mulf %parallel_loop3A_419, %parallel_loop3A_419 : vector<16xf32>
        %parallel_loop3A_425 = arith.mulf %parallel_loop3A_421, %parallel_loop3A_421 : vector<16xf32>
        %parallel_loop3A_426 = arith.addf %parallel_loop3A_424, %parallel_loop3A_425 : vector<16xf32>
        %parallel_loop3A_427 = arith.mulf %parallel_loop3A_423, %parallel_loop3A_423 : vector<16xf32>
        %parallel_loop3A_428 = arith.addf %parallel_loop3A_426, %parallel_loop3A_427 : vector<16xf32>
        %parallel_loop3A_429 = vector.broadcast %squeeze3A_75 : f32 to vector<16xf32>
        %parallel_loop3A_430 = arith.subf %parallel_loop3A_341, %parallel_loop3A_429 : vector<16xf32>
        %parallel_loop3A_431 = vector.broadcast %squeeze3A_77 : f32 to vector<16xf32>
        %parallel_loop3A_432 = arith.subf %parallel_loop3A_346, %parallel_loop3A_431 : vector<16xf32>
        %parallel_loop3A_433 = vector.broadcast %squeeze3A_79 : f32 to vector<16xf32>
        %parallel_loop3A_434 = arith.subf %parallel_loop3A_351, %parallel_loop3A_433 : vector<16xf32>
        %parallel_loop3A_435 = arith.mulf %parallel_loop3A_430, %parallel_loop3A_430 : vector<16xf32>
        %parallel_loop3A_436 = arith.mulf %parallel_loop3A_432, %parallel_loop3A_432 : vector<16xf32>
        %parallel_loop3A_437 = arith.addf %parallel_loop3A_435, %parallel_loop3A_436 : vector<16xf32>
        %parallel_loop3A_438 = arith.mulf %parallel_loop3A_434, %parallel_loop3A_434 : vector<16xf32>
        %parallel_loop3A_439 = arith.addf %parallel_loop3A_437, %parallel_loop3A_438 : vector<16xf32>
        %parallel_loop3A_440 = arith.minimumf %parallel_loop3A_362, %parallel_loop3A_373 : vector<16xf32>
        %parallel_loop3A_441 = arith.minimumf %parallel_loop3A_384, %parallel_loop3A_395 : vector<16xf32>
        %parallel_loop3A_442 = arith.minimumf %parallel_loop3A_440, %parallel_loop3A_441 : vector<16xf32>
        %parallel_loop3A_443 = arith.minimumf %parallel_loop3A_406, %parallel_loop3A_417 : vector<16xf32>
        %parallel_loop3A_444 = arith.minimumf %parallel_loop3A_428, %parallel_loop3A_439 : vector<16xf32>
        %parallel_loop3A_445 = arith.minimumf %parallel_loop3A_443, %parallel_loop3A_444 : vector<16xf32>
        %parallel_loop3A_446 = arith.index_cast %parallel_loop3A_336 : i32 to index
        %parallel_loop3A_447 = tpu.vector_load %arg8[%parallel_loop3A_446] {strides = array<i32>} : memref<2048xf32, #tpu.memory_space<vmem>>, vector<16xf32>,
        %parallel_loop3A_448 = vector.shape_cast %parallel_loop3A_447 : vector<16xf32> to vector<16xf32>
        %parallel_loop3A_449 = arith.minimumf %parallel_loop3A_442, %parallel_loop3A_445 : vector<16xf32>
        %parallel_loop3A_450 = arith.minimumf %parallel_loop3A_448, %parallel_loop3A_449 : vector<16xf32>
        %parallel_loop3A_451 = arith.index_cast %parallel_loop3A_336 : i32 to index
        %parallel_loop3A_452 = tpu.vector_load %arg8[%parallel_loop3A_451] {strides = array<i32>} : memref<2048xf32, #tpu.memory_space<vmem>>, vector<16xf32>,
        %parallel_loop3A_453 = vector.shape_cast %parallel_loop3A_452 : vector<16xf32> to vector<16xf32>
        %parallel_loop3A_454 = vector.shape_cast %parallel_loop3A_450 : vector<16xf32> to vector<16xf32>
        tpu.vector_store %arg8[%parallel_loop3A_451], %parallel_loop3A_454 {strides = array<i32>} : memref<2048xf32, #tpu.memory_space<vmem>>, vector<16xf32>,
        %parallel_loop3A_455 = arith.minimumf %parallel_loop3A_327, %parallel_loop3A_362 : vector<16xf32>
        %parallel_loop3A_456 = arith.minimumf %parallel_loop3A_328, %parallel_loop3A_373 : vector<16xf32>
        %parallel_loop3A_457 = arith.minimumf %parallel_loop3A_329, %parallel_loop3A_384 : vector<16xf32>
        %parallel_loop3A_458 = arith.minimumf %parallel_loop3A_330, %parallel_loop3A_395 : vector<16xf32>
        %parallel_loop3A_459 = arith.minimumf %parallel_loop3A_331, %parallel_loop3A_406 : vector<16xf32>
        %parallel_loop3A_460 = arith.minimumf %parallel_loop3A_332, %parallel_loop3A_417 : vector<16xf32>
        %parallel_loop3A_461 = arith.minimumf %parallel_loop3A_333, %parallel_loop3A_428 : vector<16xf32>
        %parallel_loop3A_462 = arith.minimumf %parallel_loop3A_334, %parallel_loop3A_439 : vector<16xf32>
        scf.yield %parallel_loop3A_455, %parallel_loop3A_456, %parallel_loop3A_457, %parallel_loop3A_458, %parallel_loop3A_459, %parallel_loop3A_460, %parallel_loop3A_461, %parallel_loop3A_462 : vector<16xf32>, vector<16xf32>, vector<16xf32>, vector<16xf32>, vector<16xf32>, vector<16xf32>, vector<16xf32>, vector<16xf32>
      } {sc.loop_unroll_factor = 4 : i64, sc.parallel_access}
      %mul3A_83 = arith.constant 16 : i32
      %mul3A_84 = arith.muli %scan3A_17, %mul3A_83 : i32
      %add3A_85 = arith.constant 0 : i32
      %add3A_86 = arith.addi %mul3A_84, %add3A_85 : i32
      %add3A_87 = arith.constant 0 : i32
      %add3A_88 = arith.addi %add3A_86, %add3A_87 : i32
      %mul3A_89 = arith.constant 16 : i32
      %mul3A_90 = arith.muli %add3A_88, %mul3A_89 : i32
      %swap3A = arith.index_cast %mul3A_90 : i32 to index
      %swap3A_91 = tpu.vector_load %arg9[%swap3A] {strides = array<i32>} : memref<4096xf32, #tpu.memory_space<vmem>>, vector<16xf32>,
      %swap3A_92 = vector.shape_cast %swap3A_91 : vector<16xf32> to vector<16xf32>
      %swap3A_93 = vector.shape_cast %parallel_loop3A_82#0 : vector<16xf32> to vector<16xf32>
      tpu.vector_store %arg9[%swap3A], %swap3A_93 {strides = array<i32>} : memref<4096xf32, #tpu.memory_space<vmem>>, vector<16xf32>,
      %mul3A_94 = arith.constant 16 : i32
      %mul3A_95 = arith.muli %scan3A_17, %mul3A_94 : i32
      %add3A_96 = arith.constant 0 : i32
      %add3A_97 = arith.addi %mul3A_95, %add3A_96 : i32
      %add3A_98 = arith.constant 1 : i32
      %add3A_99 = arith.addi %add3A_97, %add3A_98 : i32
      %mul3A_100 = arith.constant 16 : i32
      %mul3A_101 = arith.muli %add3A_99, %mul3A_100 : i32
      %swap3A_102 = arith.index_cast %mul3A_101 : i32 to index
      %swap3A_103 = tpu.vector_load %arg9[%swap3A_102] {strides = array<i32>} : memref<4096xf32, #tpu.memory_space<vmem>>, vector<16xf32>,
      %swap3A_104 = vector.shape_cast %swap3A_103 : vector<16xf32> to vector<16xf32>
      %swap3A_105 = vector.shape_cast %parallel_loop3A_82#1 : vector<16xf32> to vector<16xf32>
      tpu.vector_store %arg9[%swap3A_102], %swap3A_105 {strides = array<i32>} : memref<4096xf32, #tpu.memory_space<vmem>>, vector<16xf32>,
      %mul3A_106 = arith.constant 16 : i32
      %mul3A_107 = arith.muli %scan3A_17, %mul3A_106 : i32
      %add3A_108 = arith.constant 0 : i32
      %add3A_109 = arith.addi %mul3A_107, %add3A_108 : i32
      %add3A_110 = arith.constant 2 : i32
      %add3A_111 = arith.addi %add3A_109, %add3A_110 : i32
      %mul3A_112 = arith.constant 16 : i32
      %mul3A_113 = arith.muli %add3A_111, %mul3A_112 : i32
      %swap3A_114 = arith.index_cast %mul3A_113 : i32 to index
      %swap3A_115 = tpu.vector_load %arg9[%swap3A_114] {strides = array<i32>} : memref<4096xf32, #tpu.memory_space<vmem>>, vector<16xf32>,
      %swap3A_116 = vector.shape_cast %swap3A_115 : vector<16xf32> to vector<16xf32>
      %swap3A_117 = vector.shape_cast %parallel_loop3A_82#2 : vector<16xf32> to vector<16xf32>
      tpu.vector_store %arg9[%swap3A_114], %swap3A_117 {strides = array<i32>} : memref<4096xf32, #tpu.memory_space<vmem>>, vector<16xf32>,
      %mul3A_118 = arith.constant 16 : i32
      %mul3A_119 = arith.muli %scan3A_17, %mul3A_118 : i32
      %add3A_120 = arith.constant 0 : i32
      %add3A_121 = arith.addi %mul3A_119, %add3A_120 : i32
      %add3A_122 = arith.constant 3 : i32
      %add3A_123 = arith.addi %add3A_121, %add3A_122 : i32
      %mul3A_124 = arith.constant 16 : i32
      %mul3A_125 = arith.muli %add3A_123, %mul3A_124 : i32
      %swap3A_126 = arith.index_cast %mul3A_125 : i32 to index
      %swap3A_127 = tpu.vector_load %arg9[%swap3A_126] {strides = array<i32>} : memref<4096xf32, #tpu.memory_space<vmem>>, vector<16xf32>,
      %swap3A_128 = vector.shape_cast %swap3A_127 : vector<16xf32> to vector<16xf32>
      %swap3A_129 = vector.shape_cast %parallel_loop3A_82#3 : vector<16xf32> to vector<16xf32>
      tpu.vector_store %arg9[%swap3A_126], %swap3A_129 {strides = array<i32>} : memref<4096xf32, #tpu.memory_space<vmem>>, vector<16xf32>,
      %mul3A_130 = arith.constant 16 : i32
      %mul3A_131 = arith.muli %scan3A_17, %mul3A_130 : i32
      %add3A_132 = arith.constant 0 : i32
      %add3A_133 = arith.addi %mul3A_131, %add3A_132 : i32
      %add3A_134 = arith.constant 4 : i32
      %add3A_135 = arith.addi %add3A_133, %add3A_134 : i32
      %mul3A_136 = arith.constant 16 : i32
      %mul3A_137 = arith.muli %add3A_135, %mul3A_136 : i32
      %swap3A_138 = arith.index_cast %mul3A_137 : i32 to index
      %swap3A_139 = tpu.vector_load %arg9[%swap3A_138] {strides = array<i32>} : memref<4096xf32, #tpu.memory_space<vmem>>, vector<16xf32>,
      %swap3A_140 = vector.shape_cast %swap3A_139 : vector<16xf32> to vector<16xf32>
      %swap3A_141 = vector.shape_cast %parallel_loop3A_82#4 : vector<16xf32> to vector<16xf32>
      tpu.vector_store %arg9[%swap3A_138], %swap3A_141 {strides = array<i32>} : memref<4096xf32, #tpu.memory_space<vmem>>, vector<16xf32>,
      %mul3A_142 = arith.constant 16 : i32
      %mul3A_143 = arith.muli %scan3A_17, %mul3A_142 : i32
      %add3A_144 = arith.constant 0 : i32
      %add3A_145 = arith.addi %mul3A_143, %add3A_144 : i32
      %add3A_146 = arith.constant 5 : i32
      %add3A_147 = arith.addi %add3A_145, %add3A_146 : i32
      %mul3A_148 = arith.constant 16 : i32
      %mul3A_149 = arith.muli %add3A_147, %mul3A_148 : i32
      %swap3A_150 = arith.index_cast %mul3A_149 : i32 to index
      %swap3A_151 = tpu.vector_load %arg9[%swap3A_150] {strides = array<i32>} : memref<4096xf32, #tpu.memory_space<vmem>>, vector<16xf32>,
      %swap3A_152 = vector.shape_cast %swap3A_151 : vector<16xf32> to vector<16xf32>
      %swap3A_153 = vector.shape_cast %parallel_loop3A_82#5 : vector<16xf32> to vector<16xf32>
      tpu.vector_store %arg9[%swap3A_150], %swap3A_153 {strides = array<i32>} : memref<4096xf32, #tpu.memory_space<vmem>>, vector<16xf32>,
      %mul3A_154 = arith.constant 16 : i32
      %mul3A_155 = arith.muli %scan3A_17, %mul3A_154 : i32
      %add3A_156 = arith.constant 0 : i32
      %add3A_157 = arith.addi %mul3A_155, %add3A_156 : i32
      %add3A_158 = arith.constant 6 : i32
      %add3A_159 = arith.addi %add3A_157, %add3A_158 : i32
      %mul3A_160 = arith.constant 16 : i32
      %mul3A_161 = arith.muli %add3A_159, %mul3A_160 : i32
      %swap3A_162 = arith.index_cast %mul3A_161 : i32 to index
      %swap3A_163 = tpu.vector_load %arg9[%swap3A_162] {strides = array<i32>} : memref<4096xf32, #tpu.memory_space<vmem>>, vector<16xf32>,
      %swap3A_164 = vector.shape_cast %swap3A_163 : vector<16xf32> to vector<16xf32>
      %swap3A_165 = vector.shape_cast %parallel_loop3A_82#6 : vector<16xf32> to vector<16xf32>
      tpu.vector_store %arg9[%swap3A_162], %swap3A_165 {strides = array<i32>} : memref<4096xf32, #tpu.memory_space<vmem>>, vector<16xf32>,
      %mul3A_166 = arith.constant 16 : i32
      %mul3A_167 = arith.muli %scan3A_17, %mul3A_166 : i32
      %add3A_168 = arith.constant 0 : i32
      %add3A_169 = arith.addi %mul3A_167, %add3A_168 : i32
      %add3A_170 = arith.constant 7 : i32
      %add3A_171 = arith.addi %add3A_169, %add3A_170 : i32
      %mul3A_172 = arith.constant 16 : i32
      %mul3A_173 = arith.muli %add3A_171, %mul3A_172 : i32
      %swap3A_174 = arith.index_cast %mul3A_173 : i32 to index
      %swap3A_175 = tpu.vector_load %arg9[%swap3A_174] {strides = array<i32>} : memref<4096xf32, #tpu.memory_space<vmem>>, vector<16xf32>,
      %swap3A_176 = vector.shape_cast %swap3A_175 : vector<16xf32> to vector<16xf32>
      %swap3A_177 = vector.shape_cast %parallel_loop3A_82#7 : vector<16xf32> to vector<16xf32>
      tpu.vector_store %arg9[%swap3A_174], %swap3A_177 {strides = array<i32>} : memref<4096xf32, #tpu.memory_space<vmem>>, vector<16xf32>,
      %slice3A_178 = vector.extract_strided_slice %get3A_23 {offsets = [8], sizes = [1], strides = [1]} : vector<16xf32> to vector<1xf32>
      %squeeze3A_179 = vector.extract %slice3A_178[0] : f32 from vector<1xf32>
      %slice3A_180 = vector.extract_strided_slice %get3A_28 {offsets = [8], sizes = [1], strides = [1]} : vector<16xf32> to vector<1xf32>
      %squeeze3A_181 = vector.extract %slice3A_180[0] : f32 from vector<1xf32>
      %slice3A_182 = vector.extract_strided_slice %get3A_33 {offsets = [8], sizes = [1], strides = [1]} : vector<16xf32> to vector<1xf32>
      %squeeze3A_183 = vector.extract %slice3A_182[0] : f32 from vector<1xf32>
      %slice3A_184 = vector.extract_strided_slice %get3A_23 {offsets = [9], sizes = [1], strides = [1]} : vector<16xf32> to vector<1xf32>
      %squeeze3A_185 = vector.extract %slice3A_184[0] : f32 from vector<1xf32>
      %slice3A_186 = vector.extract_strided_slice %get3A_28 {offsets = [9], sizes = [1], strides = [1]} : vector<16xf32> to vector<1xf32>
      %squeeze3A_187 = vector.extract %slice3A_186[0] : f32 from vector<1xf32>
      %slice3A_188 = vector.extract_strided_slice %get3A_33 {offsets = [9], sizes = [1], strides = [1]} : vector<16xf32> to vector<1xf32>
      %squeeze3A_189 = vector.extract %slice3A_188[0] : f32 from vector<1xf32>
      %slice3A_190 = vector.extract_strided_slice %get3A_23 {offsets = [10], sizes = [1], strides = [1]} : vector<16xf32> to vector<1xf32>
      %squeeze3A_191 = vector.extract %slice3A_190[0] : f32 from vector<1xf32>
      %slice3A_192 = vector.extract_strided_slice %get3A_28 {offsets = [10], sizes = [1], strides = [1]} : vector<16xf32> to vector<1xf32>
      %squeeze3A_193 = vector.extract %slice3A_192[0] : f32 from vector<1xf32>
      %slice3A_194 = vector.extract_strided_slice %get3A_33 {offsets = [10], sizes = [1], strides = [1]} : vector<16xf32> to vector<1xf32>
      %squeeze3A_195 = vector.extract %slice3A_194[0] : f32 from vector<1xf32>
      %slice3A_196 = vector.extract_strided_slice %get3A_23 {offsets = [11], sizes = [1], strides = [1]} : vector<16xf32> to vector<1xf32>
      %squeeze3A_197 = vector.extract %slice3A_196[0] : f32 from vector<1xf32>
      %slice3A_198 = vector.extract_strided_slice %get3A_28 {offsets = [11], sizes = [1], strides = [1]} : vector<16xf32> to vector<1xf32>
      %squeeze3A_199 = vector.extract %slice3A_198[0] : f32 from vector<1xf32>
      %slice3A_200 = vector.extract_strided_slice %get3A_33 {offsets = [11], sizes = [1], strides = [1]} : vector<16xf32> to vector<1xf32>
      %squeeze3A_201 = vector.extract %slice3A_200[0] : f32 from vector<1xf32>
      %slice3A_202 = vector.extract_strided_slice %get3A_23 {offsets = [12], sizes = [1], strides = [1]} : vector<16xf32> to vector<1xf32>
      %squeeze3A_203 = vector.extract %slice3A_202[0] : f32 from vector<1xf32>
      %slice3A_204 = vector.extract_strided_slice %get3A_28 {offsets = [12], sizes = [1], strides = [1]} : vector<16xf32> to vector<1xf32>
      %squeeze3A_205 = vector.extract %slice3A_204[0] : f32 from vector<1xf32>
      %slice3A_206 = vector.extract_strided_slice %get3A_33 {offsets = [12], sizes = [1], strides = [1]} : vector<16xf32> to vector<1xf32>
      %squeeze3A_207 = vector.extract %slice3A_206[0] : f32 from vector<1xf32>
      %slice3A_208 = vector.extract_strided_slice %get3A_23 {offsets = [13], sizes = [1], strides = [1]} : vector<16xf32> to vector<1xf32>
      %squeeze3A_209 = vector.extract %slice3A_208[0] : f32 from vector<1xf32>
      %slice3A_210 = vector.extract_strided_slice %get3A_28 {offsets = [13], sizes = [1], strides = [1]} : vector<16xf32> to vector<1xf32>
      %squeeze3A_211 = vector.extract %slice3A_210[0] : f32 from vector<1xf32>
      %slice3A_212 = vector.extract_strided_slice %get3A_33 {offsets = [13], sizes = [1], strides = [1]} : vector<16xf32> to vector<1xf32>
      %squeeze3A_213 = vector.extract %slice3A_212[0] : f32 from vector<1xf32>
      %slice3A_214 = vector.extract_strided_slice %get3A_23 {offsets = [14], sizes = [1], strides = [1]} : vector<16xf32> to vector<1xf32>
      %squeeze3A_215 = vector.extract %slice3A_214[0] : f32 from vector<1xf32>
      %slice3A_216 = vector.extract_strided_slice %get3A_28 {offsets = [14], sizes = [1], strides = [1]} : vector<16xf32> to vector<1xf32>
      %squeeze3A_217 = vector.extract %slice3A_216[0] : f32 from vector<1xf32>
      %slice3A_218 = vector.extract_strided_slice %get3A_33 {offsets = [14], sizes = [1], strides = [1]} : vector<16xf32> to vector<1xf32>
      %squeeze3A_219 = vector.extract %slice3A_218[0] : f32 from vector<1xf32>
      %slice3A_220 = vector.extract_strided_slice %get3A_23 {offsets = [15], sizes = [1], strides = [1]} : vector<16xf32> to vector<1xf32>
      %squeeze3A_221 = vector.extract %slice3A_220[0] : f32 from vector<1xf32>
      %slice3A_222 = vector.extract_strided_slice %get3A_28 {offsets = [15], sizes = [1], strides = [1]} : vector<16xf32> to vector<1xf32>
      %squeeze3A_223 = vector.extract %slice3A_222[0] : f32 from vector<1xf32>
      %slice3A_224 = vector.extract_strided_slice %get3A_33 {offsets = [15], sizes = [1], strides = [1]} : vector<16xf32> to vector<1xf32>
      %squeeze3A_225 = vector.extract %slice3A_224[0] : f32 from vector<1xf32>
      %parallel_loop3A_226 = arith.constant 0 : i32
      %parallel_loop3A_227 = arith.constant 128 : i32
      %parallel_loop3A_228 = arith.constant 1 : i32
      %parallel_loop3A_229:8 = scf.for %parallel_loop3A_326 = %parallel_loop3A_226 to %parallel_loop3A_227 step %parallel_loop3A_228 iter_args(%parallel_loop3A_327 = %broadcast_in_dim3A_2, %parallel_loop3A_328 = %broadcast_in_dim3A_2, %parallel_loop3A_329 = %broadcast_in_dim3A_2, %parallel_loop3A_330 = %broadcast_in_dim3A_2, %parallel_loop3A_331 = %broadcast_in_dim3A_2, %parallel_loop3A_332 = %broadcast_in_dim3A_2, %parallel_loop3A_333 = %broadcast_in_dim3A_2, %parallel_loop3A_334 = %broadcast_in_dim3A_2) -> (vector<16xf32>, vector<16xf32>, vector<16xf32>, vector<16xf32>, vector<16xf32>, vector<16xf32>, vector<16xf32>, vector<16xf32>)  : i32 {
        %parallel_loop3A_335 = arith.constant 16 : i32
        %parallel_loop3A_336 = arith.muli %parallel_loop3A_326, %parallel_loop3A_335 : i32
        %parallel_loop3A_337 = arith.constant 0 : i32
        %parallel_loop3A_338 = arith.index_cast %parallel_loop3A_337 : i32 to index
        %parallel_loop3A_339 = arith.index_cast %parallel_loop3A_336 : i32 to index
        %parallel_loop3A_340 = tpu.vector_load %arg6[%parallel_loop3A_338, %parallel_loop3A_339] {strides = array<i32>} : memref<3x2048xf32, #tpu.memory_space<vmem>>, vector<1x16xf32>,
        %parallel_loop3A_341 = vector.shape_cast %parallel_loop3A_340 : vector<1x16xf32> to vector<16xf32>
        %parallel_loop3A_342 = arith.constant 1 : i32
        %parallel_loop3A_343 = arith.index_cast %parallel_loop3A_342 : i32 to index
        %parallel_loop3A_344 = arith.index_cast %parallel_loop3A_336 : i32 to index
        %parallel_loop3A_345 = tpu.vector_load %arg6[%parallel_loop3A_343, %parallel_loop3A_344] {strides = array<i32>} : memref<3x2048xf32, #tpu.memory_space<vmem>>, vector<1x16xf32>,
        %parallel_loop3A_346 = vector.shape_cast %parallel_loop3A_345 : vector<1x16xf32> to vector<16xf32>
        %parallel_loop3A_347 = arith.constant 2 : i32
        %parallel_loop3A_348 = arith.index_cast %parallel_loop3A_347 : i32 to index
        %parallel_loop3A_349 = arith.index_cast %parallel_loop3A_336 : i32 to index
        %parallel_loop3A_350 = tpu.vector_load %arg6[%parallel_loop3A_348, %parallel_loop3A_349] {strides = array<i32>} : memref<3x2048xf32, #tpu.memory_space<vmem>>, vector<1x16xf32>,
        %parallel_loop3A_351 = vector.shape_cast %parallel_loop3A_350 : vector<1x16xf32> to vector<16xf32>
        %parallel_loop3A_352 = vector.broadcast %squeeze3A_179 : f32 to vector<16xf32>
        %parallel_loop3A_353 = arith.subf %parallel_loop3A_341, %parallel_loop3A_352 : vector<16xf32>
        %parallel_loop3A_354 = vector.broadcast %squeeze3A_181 : f32 to vector<16xf32>
        %parallel_loop3A_355 = arith.subf %parallel_loop3A_346, %parallel_loop3A_354 : vector<16xf32>
        %parallel_loop3A_356 = vector.broadcast %squeeze3A_183 : f32 to vector<16xf32>
        %parallel_loop3A_357 = arith.subf %parallel_loop3A_351, %parallel_loop3A_356 : vector<16xf32>
        %parallel_loop3A_358 = arith.mulf %parallel_loop3A_353, %parallel_loop3A_353 : vector<16xf32>
        %parallel_loop3A_359 = arith.mulf %parallel_loop3A_355, %parallel_loop3A_355 : vector<16xf32>
        %parallel_loop3A_360 = arith.addf %parallel_loop3A_358, %parallel_loop3A_359 : vector<16xf32>
        %parallel_loop3A_361 = arith.mulf %parallel_loop3A_357, %parallel_loop3A_357 : vector<16xf32>
        %parallel_loop3A_362 = arith.addf %parallel_loop3A_360, %parallel_loop3A_361 : vector<16xf32>
        %parallel_loop3A_363 = vector.broadcast %squeeze3A_185 : f32 to vector<16xf32>
        %parallel_loop3A_364 = arith.subf %parallel_loop3A_341, %parallel_loop3A_363 : vector<16xf32>
        %parallel_loop3A_365 = vector.broadcast %squeeze3A_187 : f32 to vector<16xf32>
        %parallel_loop3A_366 = arith.subf %parallel_loop3A_346, %parallel_loop3A_365 : vector<16xf32>
        %parallel_loop3A_367 = vector.broadcast %squeeze3A_189 : f32 to vector<16xf32>
        %parallel_loop3A_368 = arith.subf %parallel_loop3A_351, %parallel_loop3A_367 : vector<16xf32>
        %parallel_loop3A_369 = arith.mulf %parallel_loop3A_364, %parallel_loop3A_364 : vector<16xf32>
        %parallel_loop3A_370 = arith.mulf %parallel_loop3A_366, %parallel_loop3A_366 : vector<16xf32>
        %parallel_loop3A_371 = arith.addf %parallel_loop3A_369, %parallel_loop3A_370 : vector<16xf32>
        %parallel_loop3A_372 = arith.mulf %parallel_loop3A_368, %parallel_loop3A_368 : vector<16xf32>
        %parallel_loop3A_373 = arith.addf %parallel_loop3A_371, %parallel_loop3A_372 : vector<16xf32>
        %parallel_loop3A_374 = vector.broadcast %squeeze3A_191 : f32 to vector<16xf32>
        %parallel_loop3A_375 = arith.subf %parallel_loop3A_341, %parallel_loop3A_374 : vector<16xf32>
        %parallel_loop3A_376 = vector.broadcast %squeeze3A_193 : f32 to vector<16xf32>
        %parallel_loop3A_377 = arith.subf %parallel_loop3A_346, %parallel_loop3A_376 : vector<16xf32>
        %parallel_loop3A_378 = vector.broadcast %squeeze3A_195 : f32 to vector<16xf32>
        %parallel_loop3A_379 = arith.subf %parallel_loop3A_351, %parallel_loop3A_378 : vector<16xf32>
        %parallel_loop3A_380 = arith.mulf %parallel_loop3A_375, %parallel_loop3A_375 : vector<16xf32>
        %parallel_loop3A_381 = arith.mulf %parallel_loop3A_377, %parallel_loop3A_377 : vector<16xf32>
        %parallel_loop3A_382 = arith.addf %parallel_loop3A_380, %parallel_loop3A_381 : vector<16xf32>
        %parallel_loop3A_383 = arith.mulf %parallel_loop3A_379, %parallel_loop3A_379 : vector<16xf32>
        %parallel_loop3A_384 = arith.addf %parallel_loop3A_382, %parallel_loop3A_383 : vector<16xf32>
        %parallel_loop3A_385 = vector.broadcast %squeeze3A_197 : f32 to vector<16xf32>
        %parallel_loop3A_386 = arith.subf %parallel_loop3A_341, %parallel_loop3A_385 : vector<16xf32>
        %parallel_loop3A_387 = vector.broadcast %squeeze3A_199 : f32 to vector<16xf32>
        %parallel_loop3A_388 = arith.subf %parallel_loop3A_346, %parallel_loop3A_387 : vector<16xf32>
        %parallel_loop3A_389 = vector.broadcast %squeeze3A_201 : f32 to vector<16xf32>
        %parallel_loop3A_390 = arith.subf %parallel_loop3A_351, %parallel_loop3A_389 : vector<16xf32>
        %parallel_loop3A_391 = arith.mulf %parallel_loop3A_386, %parallel_loop3A_386 : vector<16xf32>
        %parallel_loop3A_392 = arith.mulf %parallel_loop3A_388, %parallel_loop3A_388 : vector<16xf32>
        %parallel_loop3A_393 = arith.addf %parallel_loop3A_391, %parallel_loop3A_392 : vector<16xf32>
        %parallel_loop3A_394 = arith.mulf %parallel_loop3A_390, %parallel_loop3A_390 : vector<16xf32>
        %parallel_loop3A_395 = arith.addf %parallel_loop3A_393, %parallel_loop3A_394 : vector<16xf32>
        %parallel_loop3A_396 = vector.broadcast %squeeze3A_203 : f32 to vector<16xf32>
        %parallel_loop3A_397 = arith.subf %parallel_loop3A_341, %parallel_loop3A_396 : vector<16xf32>
        %parallel_loop3A_398 = vector.broadcast %squeeze3A_205 : f32 to vector<16xf32>
        %parallel_loop3A_399 = arith.subf %parallel_loop3A_346, %parallel_loop3A_398 : vector<16xf32>
        %parallel_loop3A_400 = vector.broadcast %squeeze3A_207 : f32 to vector<16xf32>
        %parallel_loop3A_401 = arith.subf %parallel_loop3A_351, %parallel_loop3A_400 : vector<16xf32>
        %parallel_loop3A_402 = arith.mulf %parallel_loop3A_397, %parallel_loop3A_397 : vector<16xf32>
        %parallel_loop3A_403 = arith.mulf %parallel_loop3A_399, %parallel_loop3A_399 : vector<16xf32>
        %parallel_loop3A_404 = arith.addf %parallel_loop3A_402, %parallel_loop3A_403 : vector<16xf32>
        %parallel_loop3A_405 = arith.mulf %parallel_loop3A_401, %parallel_loop3A_401 : vector<16xf32>
        %parallel_loop3A_406 = arith.addf %parallel_loop3A_404, %parallel_loop3A_405 : vector<16xf32>
        %parallel_loop3A_407 = vector.broadcast %squeeze3A_209 : f32 to vector<16xf32>
        %parallel_loop3A_408 = arith.subf %parallel_loop3A_341, %parallel_loop3A_407 : vector<16xf32>
        %parallel_loop3A_409 = vector.broadcast %squeeze3A_211 : f32 to vector<16xf32>
        %parallel_loop3A_410 = arith.subf %parallel_loop3A_346, %parallel_loop3A_409 : vector<16xf32>
        %parallel_loop3A_411 = vector.broadcast %squeeze3A_213 : f32 to vector<16xf32>
        %parallel_loop3A_412 = arith.subf %parallel_loop3A_351, %parallel_loop3A_411 : vector<16xf32>
        %parallel_loop3A_413 = arith.mulf %parallel_loop3A_408, %parallel_loop3A_408 : vector<16xf32>
        %parallel_loop3A_414 = arith.mulf %parallel_loop3A_410, %parallel_loop3A_410 : vector<16xf32>
        %parallel_loop3A_415 = arith.addf %parallel_loop3A_413, %parallel_loop3A_414 : vector<16xf32>
        %parallel_loop3A_416 = arith.mulf %parallel_loop3A_412, %parallel_loop3A_412 : vector<16xf32>
        %parallel_loop3A_417 = arith.addf %parallel_loop3A_415, %parallel_loop3A_416 : vector<16xf32>
        %parallel_loop3A_418 = vector.broadcast %squeeze3A_215 : f32 to vector<16xf32>
        %parallel_loop3A_419 = arith.subf %parallel_loop3A_341, %parallel_loop3A_418 : vector<16xf32>
        %parallel_loop3A_420 = vector.broadcast %squeeze3A_217 : f32 to vector<16xf32>
        %parallel_loop3A_421 = arith.subf %parallel_loop3A_346, %parallel_loop3A_420 : vector<16xf32>
        %parallel_loop3A_422 = vector.broadcast %squeeze3A_219 : f32 to vector<16xf32>
        %parallel_loop3A_423 = arith.subf %parallel_loop3A_351, %parallel_loop3A_422 : vector<16xf32>
        %parallel_loop3A_424 = arith.mulf %parallel_loop3A_419, %parallel_loop3A_419 : vector<16xf32>
        %parallel_loop3A_425 = arith.mulf %parallel_loop3A_421, %parallel_loop3A_421 : vector<16xf32>
        %parallel_loop3A_426 = arith.addf %parallel_loop3A_424, %parallel_loop3A_425 : vector<16xf32>
        %parallel_loop3A_427 = arith.mulf %parallel_loop3A_423, %parallel_loop3A_423 : vector<16xf32>
        %parallel_loop3A_428 = arith.addf %parallel_loop3A_426, %parallel_loop3A_427 : vector<16xf32>
        %parallel_loop3A_429 = vector.broadcast %squeeze3A_221 : f32 to vector<16xf32>
        %parallel_loop3A_430 = arith.subf %parallel_loop3A_341, %parallel_loop3A_429 : vector<16xf32>
        %parallel_loop3A_431 = vector.broadcast %squeeze3A_223 : f32 to vector<16xf32>
        %parallel_loop3A_432 = arith.subf %parallel_loop3A_346, %parallel_loop3A_431 : vector<16xf32>
        %parallel_loop3A_433 = vector.broadcast %squeeze3A_225 : f32 to vector<16xf32>
        %parallel_loop3A_434 = arith.subf %parallel_loop3A_351, %parallel_loop3A_433 : vector<16xf32>
        %parallel_loop3A_435 = arith.mulf %parallel_loop3A_430, %parallel_loop3A_430 : vector<16xf32>
        %parallel_loop3A_436 = arith.mulf %parallel_loop3A_432, %parallel_loop3A_432 : vector<16xf32>
        %parallel_loop3A_437 = arith.addf %parallel_loop3A_435, %parallel_loop3A_436 : vector<16xf32>
        %parallel_loop3A_438 = arith.mulf %parallel_loop3A_434, %parallel_loop3A_434 : vector<16xf32>
        %parallel_loop3A_439 = arith.addf %parallel_loop3A_437, %parallel_loop3A_438 : vector<16xf32>
        %parallel_loop3A_440 = arith.minimumf %parallel_loop3A_362, %parallel_loop3A_373 : vector<16xf32>
        %parallel_loop3A_441 = arith.minimumf %parallel_loop3A_384, %parallel_loop3A_395 : vector<16xf32>
        %parallel_loop3A_442 = arith.minimumf %parallel_loop3A_440, %parallel_loop3A_441 : vector<16xf32>
        %parallel_loop3A_443 = arith.minimumf %parallel_loop3A_406, %parallel_loop3A_417 : vector<16xf32>
        %parallel_loop3A_444 = arith.minimumf %parallel_loop3A_428, %parallel_loop3A_439 : vector<16xf32>
        %parallel_loop3A_445 = arith.minimumf %parallel_loop3A_443, %parallel_loop3A_444 : vector<16xf32>
        %parallel_loop3A_446 = arith.index_cast %parallel_loop3A_336 : i32 to index
        %parallel_loop3A_447 = tpu.vector_load %arg8[%parallel_loop3A_446] {strides = array<i32>} : memref<2048xf32, #tpu.memory_space<vmem>>, vector<16xf32>,
        %parallel_loop3A_448 = vector.shape_cast %parallel_loop3A_447 : vector<16xf32> to vector<16xf32>
        %parallel_loop3A_449 = arith.minimumf %parallel_loop3A_442, %parallel_loop3A_445 : vector<16xf32>
        %parallel_loop3A_450 = arith.minimumf %parallel_loop3A_448, %parallel_loop3A_449 : vector<16xf32>
        %parallel_loop3A_451 = arith.index_cast %parallel_loop3A_336 : i32 to index
        %parallel_loop3A_452 = tpu.vector_load %arg8[%parallel_loop3A_451] {strides = array<i32>} : memref<2048xf32, #tpu.memory_space<vmem>>, vector<16xf32>,
        %parallel_loop3A_453 = vector.shape_cast %parallel_loop3A_452 : vector<16xf32> to vector<16xf32>
        %parallel_loop3A_454 = vector.shape_cast %parallel_loop3A_450 : vector<16xf32> to vector<16xf32>
        tpu.vector_store %arg8[%parallel_loop3A_451], %parallel_loop3A_454 {strides = array<i32>} : memref<2048xf32, #tpu.memory_space<vmem>>, vector<16xf32>,
        %parallel_loop3A_455 = arith.minimumf %parallel_loop3A_327, %parallel_loop3A_362 : vector<16xf32>
        %parallel_loop3A_456 = arith.minimumf %parallel_loop3A_328, %parallel_loop3A_373 : vector<16xf32>
        %parallel_loop3A_457 = arith.minimumf %parallel_loop3A_329, %parallel_loop3A_384 : vector<16xf32>
        %parallel_loop3A_458 = arith.minimumf %parallel_loop3A_330, %parallel_loop3A_395 : vector<16xf32>
        %parallel_loop3A_459 = arith.minimumf %parallel_loop3A_331, %parallel_loop3A_406 : vector<16xf32>
        %parallel_loop3A_460 = arith.minimumf %parallel_loop3A_332, %parallel_loop3A_417 : vector<16xf32>
        %parallel_loop3A_461 = arith.minimumf %parallel_loop3A_333, %parallel_loop3A_428 : vector<16xf32>
        %parallel_loop3A_462 = arith.minimumf %parallel_loop3A_334, %parallel_loop3A_439 : vector<16xf32>
        scf.yield %parallel_loop3A_455, %parallel_loop3A_456, %parallel_loop3A_457, %parallel_loop3A_458, %parallel_loop3A_459, %parallel_loop3A_460, %parallel_loop3A_461, %parallel_loop3A_462 : vector<16xf32>, vector<16xf32>, vector<16xf32>, vector<16xf32>, vector<16xf32>, vector<16xf32>, vector<16xf32>, vector<16xf32>
      } {sc.loop_unroll_factor = 4 : i64, sc.parallel_access}
      %mul3A_230 = arith.constant 16 : i32
      %mul3A_231 = arith.muli %scan3A_17, %mul3A_230 : i32
      %add3A_232 = arith.constant 8 : i32
      %add3A_233 = arith.addi %mul3A_231, %add3A_232 : i32
      %add3A_234 = arith.constant 0 : i32
      %add3A_235 = arith.addi %add3A_233, %add3A_234 : i32
      %mul3A_236 = arith.constant 16 : i32
      %mul3A_237 = arith.muli %add3A_235, %mul3A_236 : i32
      %swap3A_238 = arith.index_cast %mul3A_237 : i32 to index
      %swap3A_239 = tpu.vector_load %arg9[%swap3A_238] {strides = array<i32>} : memref<4096xf32, #tpu.memory_space<vmem>>, vector<16xf32>,
      %swap3A_240 = vector.shape_cast %swap3A_239 : vector<16xf32> to vector<16xf32>
      %swap3A_241 = vector.shape_cast %parallel_loop3A_229#0 : vector<16xf32> to vector<16xf32>
      tpu.vector_store %arg9[%swap3A_238], %swap3A_241 {strides = array<i32>} : memref<4096xf32, #tpu.memory_space<vmem>>, vector<16xf32>,
      %mul3A_242 = arith.constant 16 : i32
      %mul3A_243 = arith.muli %scan3A_17, %mul3A_242 : i32
      %add3A_244 = arith.constant 8 : i32
      %add3A_245 = arith.addi %mul3A_243, %add3A_244 : i32
      %add3A_246 = arith.constant 1 : i32
      %add3A_247 = arith.addi %add3A_245, %add3A_246 : i32
      %mul3A_248 = arith.constant 16 : i32
      %mul3A_249 = arith.muli %add3A_247, %mul3A_248 : i32
      %swap3A_250 = arith.index_cast %mul3A_249 : i32 to index
      %swap3A_251 = tpu.vector_load %arg9[%swap3A_250] {strides = array<i32>} : memref<4096xf32, #tpu.memory_space<vmem>>, vector<16xf32>,
      %swap3A_252 = vector.shape_cast %swap3A_251 : vector<16xf32> to vector<16xf32>
      %swap3A_253 = vector.shape_cast %parallel_loop3A_229#1 : vector<16xf32> to vector<16xf32>
      tpu.vector_store %arg9[%swap3A_250], %swap3A_253 {strides = array<i32>} : memref<4096xf32, #tpu.memory_space<vmem>>, vector<16xf32>,
      %mul3A_254 = arith.constant 16 : i32
      %mul3A_255 = arith.muli %scan3A_17, %mul3A_254 : i32
      %add3A_256 = arith.constant 8 : i32
      %add3A_257 = arith.addi %mul3A_255, %add3A_256 : i32
      %add3A_258 = arith.constant 2 : i32
      %add3A_259 = arith.addi %add3A_257, %add3A_258 : i32
      %mul3A_260 = arith.constant 16 : i32
      %mul3A_261 = arith.muli %add3A_259, %mul3A_260 : i32
      %swap3A_262 = arith.index_cast %mul3A_261 : i32 to index
      %swap3A_263 = tpu.vector_load %arg9[%swap3A_262] {strides = array<i32>} : memref<4096xf32, #tpu.memory_space<vmem>>, vector<16xf32>,
      %swap3A_264 = vector.shape_cast %swap3A_263 : vector<16xf32> to vector<16xf32>
      %swap3A_265 = vector.shape_cast %parallel_loop3A_229#2 : vector<16xf32> to vector<16xf32>
      tpu.vector_store %arg9[%swap3A_262], %swap3A_265 {strides = array<i32>} : memref<4096xf32, #tpu.memory_space<vmem>>, vector<16xf32>,
      %mul3A_266 = arith.constant 16 : i32
      %mul3A_267 = arith.muli %scan3A_17, %mul3A_266 : i32
      %add3A_268 = arith.constant 8 : i32
      %add3A_269 = arith.addi %mul3A_267, %add3A_268 : i32
      %add3A_270 = arith.constant 3 : i32
      %add3A_271 = arith.addi %add3A_269, %add3A_270 : i32
      %mul3A_272 = arith.constant 16 : i32
      %mul3A_273 = arith.muli %add3A_271, %mul3A_272 : i32
      %swap3A_274 = arith.index_cast %mul3A_273 : i32 to index
      %swap3A_275 = tpu.vector_load %arg9[%swap3A_274] {strides = array<i32>} : memref<4096xf32, #tpu.memory_space<vmem>>, vector<16xf32>,
      %swap3A_276 = vector.shape_cast %swap3A_275 : vector<16xf32> to vector<16xf32>
      %swap3A_277 = vector.shape_cast %parallel_loop3A_229#3 : vector<16xf32> to vector<16xf32>
      tpu.vector_store %arg9[%swap3A_274], %swap3A_277 {strides = array<i32>} : memref<4096xf32, #tpu.memory_space<vmem>>, vector<16xf32>,
      %mul3A_278 = arith.constant 16 : i32
      %mul3A_279 = arith.muli %scan3A_17, %mul3A_278 : i32
      %add3A_280 = arith.constant 8 : i32
      %add3A_281 = arith.addi %mul3A_279, %add3A_280 : i32
      %add3A_282 = arith.constant 4 : i32
      %add3A_283 = arith.addi %add3A_281, %add3A_282 : i32
      %mul3A_284 = arith.constant 16 : i32
      %mul3A_285 = arith.muli %add3A_283, %mul3A_284 : i32
      %swap3A_286 = arith.index_cast %mul3A_285 : i32 to index
      %swap3A_287 = tpu.vector_load %arg9[%swap3A_286] {strides = array<i32>} : memref<4096xf32, #tpu.memory_space<vmem>>, vector<16xf32>,
      %swap3A_288 = vector.shape_cast %swap3A_287 : vector<16xf32> to vector<16xf32>
      %swap3A_289 = vector.shape_cast %parallel_loop3A_229#4 : vector<16xf32> to vector<16xf32>
      tpu.vector_store %arg9[%swap3A_286], %swap3A_289 {strides = array<i32>} : memref<4096xf32, #tpu.memory_space<vmem>>, vector<16xf32>,
      %mul3A_290 = arith.constant 16 : i32
      %mul3A_291 = arith.muli %scan3A_17, %mul3A_290 : i32
      %add3A_292 = arith.constant 8 : i32
      %add3A_293 = arith.addi %mul3A_291, %add3A_292 : i32
      %add3A_294 = arith.constant 5 : i32
      %add3A_295 = arith.addi %add3A_293, %add3A_294 : i32
      %mul3A_296 = arith.constant 16 : i32
      %mul3A_297 = arith.muli %add3A_295, %mul3A_296 : i32
      %swap3A_298 = arith.index_cast %mul3A_297 : i32 to index
      %swap3A_299 = tpu.vector_load %arg9[%swap3A_298] {strides = array<i32>} : memref<4096xf32, #tpu.memory_space<vmem>>, vector<16xf32>,
      %swap3A_300 = vector.shape_cast %swap3A_299 : vector<16xf32> to vector<16xf32>
      %swap3A_301 = vector.shape_cast %parallel_loop3A_229#5 : vector<16xf32> to vector<16xf32>
      tpu.vector_store %arg9[%swap3A_298], %swap3A_301 {strides = array<i32>} : memref<4096xf32, #tpu.memory_space<vmem>>, vector<16xf32>,
      %mul3A_302 = arith.constant 16 : i32
      %mul3A_303 = arith.muli %scan3A_17, %mul3A_302 : i32
      %add3A_304 = arith.constant 8 : i32
      %add3A_305 = arith.addi %mul3A_303, %add3A_304 : i32
      %add3A_306 = arith.constant 6 : i32
      %add3A_307 = arith.addi %add3A_305, %add3A_306 : i32
      %mul3A_308 = arith.constant 16 : i32
      %mul3A_309 = arith.muli %add3A_307, %mul3A_308 : i32
      %swap3A_310 = arith.index_cast %mul3A_309 : i32 to index
      %swap3A_311 = tpu.vector_load %arg9[%swap3A_310] {strides = array<i32>} : memref<4096xf32, #tpu.memory_space<vmem>>, vector<16xf32>,
      %swap3A_312 = vector.shape_cast %swap3A_311 : vector<16xf32> to vector<16xf32>
      %swap3A_313 = vector.shape_cast %parallel_loop3A_229#6 : vector<16xf32> to vector<16xf32>
      tpu.vector_store %arg9[%swap3A_310], %swap3A_313 {strides = array<i32>} : memref<4096xf32, #tpu.memory_space<vmem>>, vector<16xf32>,
      %mul3A_314 = arith.constant 16 : i32
      %mul3A_315 = arith.muli %scan3A_17, %mul3A_314 : i32
      %add3A_316 = arith.constant 8 : i32
      %add3A_317 = arith.addi %mul3A_315, %add3A_316 : i32
      %add3A_318 = arith.constant 7 : i32
      %add3A_319 = arith.addi %add3A_317, %add3A_318 : i32
      %mul3A_320 = arith.constant 16 : i32
      %mul3A_321 = arith.muli %add3A_319, %mul3A_320 : i32
      %swap3A_322 = arith.index_cast %mul3A_321 : i32 to index
      %swap3A_323 = tpu.vector_load %arg9[%swap3A_322] {strides = array<i32>} : memref<4096xf32, #tpu.memory_space<vmem>>, vector<16xf32>,
      %swap3A_324 = vector.shape_cast %swap3A_323 : vector<16xf32> to vector<16xf32>
      %swap3A_325 = vector.shape_cast %parallel_loop3A_229#7 : vector<16xf32> to vector<16xf32>
      tpu.vector_store %arg9[%swap3A_322], %swap3A_325 {strides = array<i32>} : memref<4096xf32, #tpu.memory_space<vmem>>, vector<16xf32>,
    }
    %scan3A_13 = arith.constant 16 : i32
    %mul3A_14 = arith.constant 2 : i32
    %mul3A_15 = arith.muli %arg1, %mul3A_14 : i32
    %add3A_16 = arith.addi %mul3A_15, %arg0 : i32
    "tpu.region"() ({
      %run_scoped3A = tpu.sem_alloc : memref<!tpu.dma_semaphore, #tpu.memory_space<semaphore_mem>>
      %dma_start3A = arith.constant 0 : i32
      %dma_start3A_17 = tpu.memref_slice %arg4[%add3A_16, %dma_start3A] : memref<32x2048xf32, #tpu.memory_space<hbm>> -> memref<1x2048xf32, #tpu.memory_space<hbm>>
      %dma_start3A_18 = tpu.memref_squeeze %dma_start3A_17 : memref<1x2048xf32, #tpu.memory_space<hbm>> -> memref<2048xf32, #tpu.memory_space<hbm>>
      %dma_start3A_19 = arith.constant 0 : i32
      %dma_start3A_20 = tpu.memref_slice %arg4[%add3A_16, %dma_start3A_19] : memref<32x2048xf32, #tpu.memory_space<hbm>> -> memref<1x2048xf32, #tpu.memory_space<hbm>>
      %dma_start3A_21 = tpu.memref_squeeze %dma_start3A_20 : memref<1x2048xf32, #tpu.memory_space<hbm>> -> memref<2048xf32, #tpu.memory_space<hbm>>
      tpu.enqueue_dma source(%arg8 : memref<2048xf32, #tpu.memory_space<vmem>>) target(%dma_start3A_21 : memref<2048xf32, #tpu.memory_space<hbm>>) target_semaphore(%run_scoped3A : memref<!tpu.dma_semaphore, #tpu.memory_space<semaphore_mem>>)
      %dma_wait3A = arith.constant 0 : i32
      %dma_wait3A_22 = tpu.memref_slice %arg4[%add3A_16, %dma_wait3A] : memref<32x2048xf32, #tpu.memory_space<hbm>> -> memref<1x2048xf32, #tpu.memory_space<hbm>>
      %dma_wait3A_23 = tpu.memref_squeeze %dma_wait3A_22 : memref<1x2048xf32, #tpu.memory_space<hbm>> -> memref<2048xf32, #tpu.memory_space<hbm>>
      %dma_wait3A_24 = arith.constant 0 : i32
      %dma_wait3A_25 = tpu.memref_slice %arg4[%add3A_16, %dma_wait3A_24] : memref<32x2048xf32, #tpu.memory_space<hbm>> -> memref<1x2048xf32, #tpu.memory_space<hbm>>
      %dma_wait3A_26 = tpu.memref_squeeze %dma_wait3A_25 : memref<1x2048xf32, #tpu.memory_space<hbm>> -> memref<2048xf32, #tpu.memory_space<hbm>>
      tpu.wait_dma2 semaphore(%run_scoped3A : memref<!tpu.dma_semaphore, #tpu.memory_space<semaphore_mem>>) src(%arg8 : memref<2048xf32, #tpu.memory_space<vmem>>) dst(%dma_wait3A_26 : memref<2048xf32, #tpu.memory_space<hbm>>)
      tpu.yield
    }) : () -> ()
    "tpu.region"() ({
      %run_scoped3A = tpu.sem_alloc : memref<!tpu.dma_semaphore, #tpu.memory_space<semaphore_mem>>
      %dma_start3A = arith.constant 0 : i32
      %dma_start3A_17 = tpu.memref_slice %arg5[%add3A_16, %dma_start3A] : memref<32x4096xf32, #tpu.memory_space<hbm>> -> memref<1x4096xf32, #tpu.memory_space<hbm>>
      %dma_start3A_18 = tpu.memref_squeeze %dma_start3A_17 : memref<1x4096xf32, #tpu.memory_space<hbm>> -> memref<4096xf32, #tpu.memory_space<hbm>>
      %dma_start3A_19 = arith.constant 0 : i32
      %dma_start3A_20 = tpu.memref_slice %arg5[%add3A_16, %dma_start3A_19] : memref<32x4096xf32, #tpu.memory_space<hbm>> -> memref<1x4096xf32, #tpu.memory_space<hbm>>
      %dma_start3A_21 = tpu.memref_squeeze %dma_start3A_20 : memref<1x4096xf32, #tpu.memory_space<hbm>> -> memref<4096xf32, #tpu.memory_space<hbm>>
      tpu.enqueue_dma source(%arg9 : memref<4096xf32, #tpu.memory_space<vmem>>) target(%dma_start3A_21 : memref<4096xf32, #tpu.memory_space<hbm>>) target_semaphore(%run_scoped3A : memref<!tpu.dma_semaphore, #tpu.memory_space<semaphore_mem>>)
      %dma_wait3A = arith.constant 0 : i32
      %dma_wait3A_22 = tpu.memref_slice %arg5[%add3A_16, %dma_wait3A] : memref<32x4096xf32, #tpu.memory_space<hbm>> -> memref<1x4096xf32, #tpu.memory_space<hbm>>
      %dma_wait3A_23 = tpu.memref_squeeze %dma_wait3A_22 : memref<1x4096xf32, #tpu.memory_space<hbm>> -> memref<4096xf32, #tpu.memory_space<hbm>>
      %dma_wait3A_24 = arith.constant 0 : i32
      %dma_wait3A_25 = tpu.memref_slice %arg5[%add3A_16, %dma_wait3A_24] : memref<32x4096xf32, #tpu.memory_space<hbm>> -> memref<1x4096xf32, #tpu.memory_space<hbm>>
      %dma_wait3A_26 = tpu.memref_squeeze %dma_wait3A_25 : memref<1x4096xf32, #tpu.memory_space<hbm>> -> memref<4096xf32, #tpu.memory_space<hbm>>
      tpu.wait_dma2 semaphore(%run_scoped3A : memref<!tpu.dma_semaphore, #tpu.memory_space<semaphore_mem>>) src(%arg9 : memref<4096xf32, #tpu.memory_space<vmem>>) dst(%dma_wait3A_26 : memref<4096xf32, #tpu.memory_space<hbm>>)
      tpu.yield
    }) : () -> ()
    return
  }
}

module attributes {stable_mosaic.version = 14 : i64} {
  func.func @_tc_kernel(%arg0: i32, %arg1: memref<1x2048x3xf32, #tpu.memory_space<vmem>>, %arg2: memref<1x3x1536xf32, #tpu.memory_space<vmem>>, %arg3: memref<1x1x2048xf32, #tpu.memory_space<vmem>>, %arg4: memref<1x1xf32, #tpu.memory_space<smem>>, %arg5: memref<1xf32, #tpu.memory_space<smem>>) attributes {dimension_semantics = [#tpu.dimension_semantics<arbitrary>], iteration_bounds = array<i64: 16>, scalar_prefetch = 0 : i64, scratch_operands = 1 : i64, tpu.core_type = #tpu.core_type<tc>, window_params = [{transform_indices = @transform_0, window_bounds = array<i64: 1, 2048, 3>}, {transform_indices = @transform_1, window_bounds = array<i64: 1, 3, 1536>}, {transform_indices = @transform_2, window_bounds = array<i64: 1, 1, 2048>}, {transform_indices = @transform_3, window_bounds = array<i64: 1, 1>}]} {
    %get3A = arith.constant 0 : index
    %get3A_0 = arith.constant 0 : index
    %get3A_1 = arith.constant 0 : index
    %get3A_2 = vector.load %arg1[%get3A, %get3A_0, %get3A_1] : memref<1x2048x3xf32, #tpu.memory_space<vmem>>, vector<1x2048x3xf32>
    %get3A_3 = vector.shape_cast %get3A_2 : vector<1x2048x3xf32> to vector<2048x3xf32>
    %get3A_4 = arith.constant 0 : index
    %get3A_5 = arith.constant 0 : index
    %get3A_6 = arith.constant 0 : index
    %get3A_7 = vector.load %arg2[%get3A_4, %get3A_5, %get3A_6] : memref<1x3x1536xf32, #tpu.memory_space<vmem>>, vector<1x3x1536xf32>
    %get3A_8 = vector.shape_cast %get3A_7 : vector<1x3x1536xf32> to vector<3x1536xf32>
    %slice3A = vector.extract_strided_slice %get3A_3 {offsets = [0, 0], sizes = [2048, 1], strides = [1, 1]} : vector<2048x3xf32> to vector<2048x1xf32>
    %slice3A_9 = vector.extract_strided_slice %get3A_3 {offsets = [0, 1], sizes = [2048, 1], strides = [1, 1]} : vector<2048x3xf32> to vector<2048x1xf32>
    %slice3A_10 = vector.extract_strided_slice %get3A_3 {offsets = [0, 2], sizes = [2048, 1], strides = [1, 1]} : vector<2048x3xf32> to vector<2048x1xf32>
    %slice3A_11 = vector.extract_strided_slice %get3A_8 {offsets = [0, 0], sizes = [1, 1536], strides = [1, 1]} : vector<3x1536xf32> to vector<1x1536xf32>
    %slice3A_12 = vector.extract_strided_slice %get3A_8 {offsets = [1, 0], sizes = [1, 1536], strides = [1, 1]} : vector<3x1536xf32> to vector<1x1536xf32>
    %slice3A_13 = vector.extract_strided_slice %get3A_8 {offsets = [2, 0], sizes = [1, 1536], strides = [1, 1]} : vector<3x1536xf32> to vector<1x1536xf32>
    %sub3A = vector.broadcast %slice3A : vector<2048x1xf32> to vector<2048x1536xf32>
    %sub3A_14 = vector.broadcast %slice3A_11 : vector<1x1536xf32> to vector<2048x1536xf32>
    %sub3A_15 = arith.subf %sub3A, %sub3A_14 : vector<2048x1536xf32>
    %mul3A = arith.mulf %sub3A_15, %sub3A_15 : vector<2048x1536xf32>
    %sub3A_16 = vector.broadcast %slice3A_9 : vector<2048x1xf32> to vector<2048x1536xf32>
    %sub3A_17 = vector.broadcast %slice3A_12 : vector<1x1536xf32> to vector<2048x1536xf32>
    %sub3A_18 = arith.subf %sub3A_16, %sub3A_17 : vector<2048x1536xf32>
    %mul3A_19 = arith.mulf %sub3A_18, %sub3A_18 : vector<2048x1536xf32>
    %add3A = arith.addf %mul3A_19, %mul3A : vector<2048x1536xf32>
    %sub3A_20 = vector.broadcast %slice3A_10 : vector<2048x1xf32> to vector<2048x1536xf32>
    %sub3A_21 = vector.broadcast %slice3A_13 : vector<1x1536xf32> to vector<2048x1536xf32>
    %sub3A_22 = arith.subf %sub3A_20, %sub3A_21 : vector<2048x1536xf32>
    %mul3A_23 = arith.mulf %sub3A_22, %sub3A_22 : vector<2048x1536xf32>
    %add3A_24 = arith.addf %mul3A_23, %add3A : vector<2048x1536xf32>
    %reduce_min3A = arith.constant dense<0x7F800000> : vector<2048xf32>
    %reduce_min3A_25 = vector.multi_reduction <minimumf>, %add3A_24, %reduce_min3A [1] : vector<2048x1536xf32> to vector<2048xf32>
    %swap3A = arith.constant 0 : index
    %swap3A_26 = arith.constant 0 : index
    %swap3A_27 = arith.constant 0 : index
    %swap3A_28 = vector.load %arg3[%swap3A, %swap3A_26, %swap3A_27] : memref<1x1x2048xf32, #tpu.memory_space<vmem>>, vector<1x1x2048xf32>
    %swap3A_29 = vector.shape_cast %swap3A_28 : vector<1x1x2048xf32> to vector<2048xf32>
    %swap3A_30 = vector.shape_cast %reduce_min3A_25 : vector<2048xf32> to vector<1x1x2048xf32>
    tpu.vector_store %arg3[%swap3A, %swap3A_26, %swap3A_27], %swap3A_30 {strides = array<i32>} : memref<1x1x2048xf32, #tpu.memory_space<vmem>>, vector<1x1x2048xf32>,
    %reduce_min3A_31 = arith.constant dense<0x7F800000> : vector<1536xf32>
    %reduce_min3A_32 = vector.multi_reduction <minimumf>, %add3A_24, %reduce_min3A_31 [0] : vector<2048x1536xf32> to vector<1536xf32>
    %broadcast_in_dim3A = vector.shape_cast %reduce_min3A_32 : vector<1536xf32> to vector<1x1536xf32>
    %eq3A = arith.constant 0 : i32
    %eq3A_33 = arith.cmpi eq, %arg0, %eq3A : i32
    %convert_element_type3A = arith.extui %eq3A_33 : i1 to i32
    %cond3A = arith.constant 0 : i32
    %cond3A_34 = arith.cmpi ne, %convert_element_type3A, %cond3A : i32
    scf.if %cond3A_34 {
      %swap3A_49 = arith.constant 0.000000e+00 : f32
      %swap3A_50 = arith.constant 0 : index
      %swap3A_51 = memref.load %arg5[%swap3A_50] : memref<1xf32, #tpu.memory_space<smem>>
      memref.store %swap3A_49, %arg5[%swap3A_50] : memref<1xf32, #tpu.memory_space<smem>>
    } else {
    }
    %get3A_35 = arith.constant 0 : index
    %get3A_36 = memref.load %arg5[%get3A_35] : memref<1xf32, #tpu.memory_space<smem>>
    %reduce_sum3A = vector.shape_cast %broadcast_in_dim3A : vector<1x1536xf32> to vector<1x1x1536xf32>
    %reduce_sum3A_37 = arith.constant dense<0.000000e+00> : vector<1xf32>
    %reduce_sum3A_38 = vector.multi_reduction <add>, %reduce_sum3A, %reduce_sum3A_37 [1, 2] : vector<1x1x1536xf32> to vector<1xf32>
    %reduce_sum3A_39 = vector.shape_cast %reduce_sum3A_38 : vector<1xf32> to vector<1x1x1xf32>
    %reduce_sum3A_40 = vector.extract %reduce_sum3A_39[0, 0, 0] : f32 from vector<1x1x1xf32>
    %add3A_41 = arith.addf %get3A_36, %reduce_sum3A_40 : f32
    %swap3A_42 = arith.constant 0 : index
    %swap3A_43 = memref.load %arg5[%swap3A_42] : memref<1xf32, #tpu.memory_space<smem>>
    memref.store %add3A_41, %arg5[%swap3A_42] : memref<1xf32, #tpu.memory_space<smem>>
    %eq3A_44 = arith.constant 15 : i32
    %eq3A_45 = arith.cmpi eq, %arg0, %eq3A_44 : i32
    %convert_element_type3A_46 = arith.extui %eq3A_45 : i1 to i32
    %cond3A_47 = arith.constant 0 : i32
    %cond3A_48 = arith.cmpi ne, %convert_element_type3A_46, %cond3A_47 : i32
    scf.if %cond3A_48 {
      %get3A_49 = arith.constant 0 : index
      %get3A_50 = memref.load %arg5[%get3A_49] : memref<1xf32, #tpu.memory_space<smem>>
      %swap3A_51 = arith.constant 0 : index
      %swap3A_52 = arith.constant 0 : index
      %swap3A_53 = memref.load %arg4[%swap3A_51, %swap3A_52] : memref<1x1xf32, #tpu.memory_space<smem>>
      memref.store %get3A_50, %arg4[%swap3A_51, %swap3A_52] : memref<1x1xf32, #tpu.memory_space<smem>>
    } else {
    }
    return
  }
  func.func @transform_0(%arg0: i32) -> (i32, i32, i32) {
    %c0_i32 = arith.constant 0 : i32
    %c0_i32_0 = arith.constant 0 : i32
    %c0_i32_1 = arith.constant 0 : i32
    return %arg0, %c0_i32, %c0_i32_0 : i32, i32, i32
  }
  func.func @transform_1(%arg0: i32) -> (i32, i32, i32) {
    %c0_i32 = arith.constant 0 : i32
    %c0_i32_0 = arith.constant 0 : i32
    %c0_i32_1 = arith.constant 0 : i32
    return %arg0, %c0_i32, %c0_i32_0 : i32, i32, i32
  }
  func.func @transform_2(%arg0: i32) -> (i32, i32, i32) {
    %c0_i32 = arith.constant 0 : i32
    %c0_i32_0 = arith.constant 0 : i32
    %c0_i32_1 = arith.constant 0 : i32
    return %arg0, %c0_i32, %c0_i32_0 : i32, i32, i32
  }
  func.func @transform_3(%arg0: i32) -> (i32, i32) {
    %c0_i32 = arith.constant 0 : i32
    %c0_i32_0 = arith.constant 0 : i32
    %c0_i32_1 = arith.constant 0 : i32
    return %c0_i32, %c0_i32_0 : i32, i32
  }
}

</mosaic_0001>

<sc_bundles>
// kernel: kernel.4.cloned.1.call-start
scs
__scs_entry_jumppad:
0x0: {  	(pc) =	sbr.rel $0x88, $3  }
0x1: {  	(tag) =	ssettag $0x0;
	lr =	simm.s32 $0x1  }
0x2: {  	[smem:$0x3F9F] =	sst lr;
	_ =	strace $0xD0000000  }
0x3: {  	_ = 	snop  }
0x4: {  	_ = 	snop  }
0x5: {  	_ = 	snop  }
0x6: {  	_ = 	snop  }
0x7: {  	_ = 	snop  }
__scs_overlays_trampoline_lowered:
0x8: {  	[smem:$0x3FAE] =	sst s0  }
0x9: {  	[smem:$0x3FAF] =	sst s1  }
0xa: {  	[smem:$0x3FB0] =	sst s2  }
0xb: {  	[smem:$0x3FB1] =	sst s3  }
0xc: {  	[smem:$0x3FB2] =	sst s4  }
0xd: {  	[smem:$0x3FB3] =	sst s5  }
0xe: {  	[smem:$0x3FB4] =	sst s6  }
0xf: {  	[smem:$0x3FB5] =	sst s7  }
0x10: {  	[smem:$0x3FB6] =	sst s8  }
0x11: {  	[smem:$0x3FB7] =	sst s9;
	s0 =	simm.s32 @!p0 $0x0  }
0x12: {  	s1 =	sld [smem:$0x3F9D];
	s0 =	simm.s32 @p0 $0x1  }
0x13: {  	[smem:$0x3FB8] =	sst s0;
	s0 =	simm.s32 @!p1 $0x0  }
0x14: {  	s2 =	sld [smem:$0x3F9C];
	s0 =	simm.s32 @p1 $0x1  }
0x15: {  	[smem:$0x3FB9] =	sst s0;
	s0 =	simm.s32 @!p2 $0x0  }
0x16: {  	s3 =	sld [smem:$0x3FDB];
	s0 =	simm.s32 @p2 $0x1  }
0x17: {  	s4 =	simm.s32 $0x1BF5;
	[smem:$0x3FBB] =	sst s0  }
0x18: {  	s0 =	sld [smem:$0x3F9E];
	_ =	swait.ge [sflag:s4], $0x0  }
0x19: {  	s7 =	sld [smem:$0x3F9F]  }
0x1a: {  	s8 =	sadd.s32 $0xFFFFE003, lr  }
0x1b: {  	s9 =	sadd.s32 $0xFFFFFEF7, lr;
	s5 =	simm.s32 $0xFFFFFFFF;
	p2 =	slt.u32 s8, $0xFFFFF086  }
0x1c: {  	p1 =	slt.u32 s9, $0xF7A;
	s5 =	simm.s32 @!p2 $0x0  }
0x1d: {  	s5 =	simm.s32 @p1 $0x1;
	p0 =	seq.s32 s7, s2  }
0x1e: {  	s7 =	smul.u32 @!p0 $0xF7A, s2;
	p2 =	seq.s32 @!p0 s5, $0x0  }
0x1f: {  	s9 =	smul.u32 $0xF7A, s1;
	s8 =	simm.s32 @!p0 $0x1BF5;
	p2 =	por !p2, p0  }
0x20: {  	[sflag:s8] =	ssyncset.s32 @!p0 $0xFFFFF086;
	s6 =	sadd.s32 @!p0 s3, s7;
	s7 =	simm.s32 @!p0 $0x108  }
0x21: {  	s3 =	sadd.s32 s3, s9;
	s6 =	sadd.s32 @!p0 $0x88, s6;
	s7 =	simm.s32 @p2 $0x1082  }
0x22: {  	[simem:s7], [sflag:s8] =	dma.local @!p0 [hbm:s6], $0xF7A  }
0x23: {  	s9 =	sor.u32 $0xD0000000, s2;
	s6 =	simm.s32 $0x108;
	_ =	swait.ge @!p0 [sflag:s8], $0x0  }
0x24: {  	s3 =	sadd.s32 $0x88, s3;
	s6 =	simm.s32 @!p1 $0x1082;
	[sflag:s4] =	ssyncset.s32 $0xFFFFF086  }
0x25: {  	[simem:s6], [sflag:s4] =	dma.local [hbm:s3], $0xF7A  }
0x26: {  	[smem:$0x3F9F] =	sst s1;
	(tag) =	ssettag s2;
	_ =	strace s9  }
0x27: {  	s1 =	sld [smem:$0x3FAF]  }
0x28: {  	s2 =	sld [smem:$0x3FB0]  }
0x29: {  	s4 =	sld [smem:$0x3FB2]  }
0x2a: {  	p0 =	seq.s32 s5, $0x0;
	s5 =	sld [smem:$0x3FB3]  }
0x2b: {  	s6 =	sld [smem:$0x3FB4]  }
0x2c: {  	s7 =	sld [smem:$0x3FB5]  }
0x2d: {  	s3 =	simm.s32 $0x108;
	s8 =	sld [smem:$0x3FB6]  }
0x2e: {  	s3 =	simm.s32 @!p0 $0x1082;
	s9 =	sld [smem:$0x3FB7]  }
0x2f: {  	lr =	sadd.s32 s0, s3;
	s0 =	sld [smem:$0x3FAE]  }
0x30: {  	s3 =	sld [smem:$0x3FB1]  }
0x31: {  	[smem:$0x3FBA] =	sst s10  }
0x32: {  	s10 =	sld [smem:$0x3FB8];
	_ =	sdelay $0x3  }
0x33: {  	p0 =	seq.s32 s10, $0x1;
	s10 =	sld [smem:$0x3FBA];
	_ =	sdelay $0x3  }
0x34: {  	[smem:$0x3FBA] =	sst s10  }
0x35: {  	s10 =	sld [smem:$0x3FB9];
	_ =	sdelay $0x3  }
0x36: {  	p1 =	seq.s32 s10, $0x1;
	s10 =	sld [smem:$0x3FBA];
	_ =	sdelay $0x3  }
0x37: {  	[smem:$0x3FBA] =	sst s10  }
0x38: {  	s10 =	sld [smem:$0x3FBB]  }
0x39: {  	_ = 	snop;
	(pc) =	sbr.ind lr, $3  }
0x3a: {  	_ = 	snop  }
0x3b: {  	_ = 	snop  }
0x3c: {  	p2 =	seq.s32 s10, $0x1;
	s10 =	sld [smem:$0x3FBA]  }
0x3d: {  	_ =	shalt  }
0x3e: {  	_ =	shalt  }
0x3f: {  	_ =	shalt  }
0x40: {  	_ =	shalt  }
0x41: {  	_ =	shalt  }
0x42: {  	_ =	shalt  }
0x43: {  	_ =	shalt  }
0x44: {  	_ =	shalt  }
0x45: {  	_ =	shalt  }
0x46: {  	_ =	shalt  }
0x47: {  	_ =	shalt  }
0x48: {  	_ =	shalt  }
0x49: {  	_ =	shalt  }
0x4a: {  	_ =	shalt  }
0x4b: {  	_ =	shalt  }
0x4c: {  	_ =	shalt  }
0x4d: {  	_ =	shalt  }
0x4e: {  	_ =	shalt  }
0x4f: {  	_ =	shalt  }
0x50: {  	_ =	shalt  }
0x51: {  	_ =	shalt  }
0x52: {  	_ =	shalt  }
0x53: {  	_ =	shalt  }
0x54: {  	_ =	shalt  }
0x55: {  	_ =	shalt  }
0x56: {  	_ =	shalt  }
0x57: {  	_ =	shalt  }
0x58: {  	_ =	shalt  }
0x59: {  	_ =	shalt  }
0x5a: {  	_ =	shalt  }
0x5b: {  	_ =	shalt  }
0x5c: {  	_ =	shalt  }
0x5d: {  	_ =	shalt  }
0x5e: {  	_ =	shalt  }
0x5f: {  	_ =	shalt  }
0x60: {  	_ =	shalt  }
0x61: {  	_ =	shalt  }
0x62: {  	_ =	shalt  }
0x63: {  	_ =	shalt  }
0x64: {  	_ =	shalt  }
0x65: {  	_ =	shalt  }
0x66: {  	_ =	shalt  }
0x67: {  	_ =	shalt  }
0x68: {  	_ =	shalt  }
0x69: {  	_ =	shalt  }
0x6a: {  	_ =	shalt  }
0x6b: {  	_ =	shalt  }
0x6c: {  	_ =	shalt  }
0x6d: {  	_ =	shalt  }
0x6e: {  	_ =	shalt  }
0x6f: {  	_ =	shalt  }
0x70: {  	_ =	shalt  }
0x71: {  	_ =	shalt  }
0x72: {  	_ =	shalt  }
0x73: {  	_ =	shalt  }
0x74: {  	_ =	shalt  }
0x75: {  	_ =	shalt  }
0x76: {  	_ =	shalt  }
0x77: {  	_ =	shalt  }
0x78: {  	_ =	shalt  }
0x79: {  	_ =	shalt  }
0x7a: {  	_ =	shalt  }
0x7b: {  	_ =	shalt  }
0x7c: {  	_ =	shalt  }
0x7d: {  	_ =	shalt  }
0x7e: {  	_ =	shalt  }
0x7f: {  	_ =	shalt  }
0x80: {  	_ =	shalt  }
0x81: {  	_ =	shalt  }
0x82: {  	_ =	shalt  }
0x83: {  	_ =	shalt  }
0x84: {  	_ =	shalt  }
0x85: {  	_ =	shalt  }
0x86: {  	_ =	shalt  }
0x87: {  	_ =	shalt  }
.Lfunc_end0:
.L_simem_size_0:
called_computation_lowered:
.L_overlay_start_0:
0x88: {  	s2 =	sld [smem:$0x3FD9]  }
0x89: {  	s3 =	sld [smem:$0x3FFE];
	_ =	sdelay $0x1  }
0x8a: {  	s1 =	srdreg.scid  }
0x8b: {  	s0 =	sand.u32 $0x1, s1  }
0x8c: {  	s16 =	sshll.u32 s0, $0xA;
	s2 =	sadd.s32 s3, s2  }
0x8d: {  	s2 =	sadd.s32 s2, s16  }
0x8e: {  	[smem:$0x3FC6] =	sst s2  }
0x8f: {  	_ = 	snop  }
0x90: {  	(tm) =	ssettm $0x1  }
0x91: {  	s17 =	sld [smem:$0x3FFB];
	_ =	sdelay $0x3  }
0x92: {  	_ =	strace s17  }
0x93: {  	s2 =	sld [smem:$0x3FFC];
	_ =	sdelay $0x3  }
0x94: {  	_ =	strace s2  }
0x95: {  	s2 =	sld [smem:$0x3FFD];
	_ =	sdelay $0x3  }
0x96: {  	_ =	strace s2  }
0x97: {  	_ =	strace $0x8FFFFFFF  }
0x98: {  	s18 =	sld [smem:$0x3FDB];
	_ =	sdelay $0x1  }
0x99: {  	s19 =	simm.s32 $_scs_section_size  }
0x9a: {  	s4 =	simm.s32 $_size__tile_overlayer_lowered;
	s5 =	simm.s32 $_tile_overlayer_lowered  }
0x9b: {  	s22 =	simm.s32 $0x1BFF;
	s21 =	sshll.u32 s5, $0x1;
	s2 =	sadd.s32 s19, s18  }
0x9c: {  	s6 =	simm.s32 $0x0;
	s20 =	sshll.u32 s4, $0x1;
	s4 =	sadd.s32 s21, s2  }
0x9d: {  	[timem:s6], [sflag:s22] =	dma.local [hbm:s4], s20  }
0x9e: {  	_ =	swait.ge [sflag:s22], s20  }
0x9f: {  	s3 =	ssub.s32 $0x0, s20;
	[sflag:s22] =	ssyncset.done $0x0  }
0xa0: {  	[sflag:s22] =	ssyncadd.s32 s3;
	_ =	sdelay $0x1  }
0xa1: {  	s23 =	simm.s32 $0x1B8B  }
0xa2: {  	_ =	swait.ge [sflag:s23], $0x1  }
0xa3: {  	[sflag:s23] =	ssyncset.done $0x0  }
0xa4: {  	s25 =	simm.s32 $0x1B8E;
	s24 =	sld [smem:$0x3FFE];
	[sflag:s23] =	ssyncadd.s32 $0xFFFFFFFF  }
0xa5: {  	s26 =	simm.s32 $execute0_lowered;
	[smem:$0x3FD2] =	sst s25  }
0xa6: {  	s4 =	sshll.u32 s26, $0x1;
	_ =	strace $0x80000046;
	[dreg:$0x1] =	wrdreg $0xFFFFFFFF  }
0xa7: {  	s28 =	simm.s32 $_size_execute0_lowered;
	s2 =	sadd.s32 s2, s4;
	[dreg:$0x0] =	wrdreg $0x0  }
0xa8: {  	s4 =	sshll.u32 s28, $0x1;
	[dreg:$0x2] =	wrdreg s2  }
0xa9: {  	[dreg:$0x3] =	wrdreg s4  }
0xaa: {  	[dreg:$0x4] =	wrdreg $0xC0  }
0xab: {  	_ =	task [dreg:s6], $0x5FFFF  }
0xac: {  	[dreg:$0x1] =	wrdreg $0xFFFFFFFF  }
0xad: {  	[dreg:$0x0] =	wrdreg $0x60  }
0xae: {  	[dreg:$0x2] =	wrdreg s24  }
0xaf: {  	[dreg:$0x3] =	wrdreg $0x9  }
0xb0: {  	_ =	task.clear_ibuf [dreg:s6], $0x4FFFF;
	_ =	strace $0x90000046  }
0xb1: {  	s29 =	simm.s32 $0x9;
	_ =	strace $0x80000048  }
0xb2: {  	_ =	swait.ge [sflag:s29], $0x1  }
0xb3: {  	[sflag:s29] =	ssyncadd.s32 $0xFFFFFFFF  }
0xb4: {  	_ =	strace $0x90000048  }
0xb5: {  	_ =	sfence  }
0xb6: {  	s30 =	sld [smem:$0x0];
	_ =	sdelay $0x2  }
0xb7: {  	s31 =	sshll.u32 s1, $0xD;
	s1 =	sshrl.u32 s1, $0x2  }
0xb8: {  	s3 =	sand.u32 $0x4000, s31;
	s1 =	sadd.s32 s1, s30  }
0xb9: {  	s0 =	sor.u32 s3, s0;
	s1 =	sshll.u32 s1, $0x11  }
0xba: {  	s0 =	sor.u32 s1, s0  }
0xbb: {  	s0 =	sadd.s32 $0x8F2B, s0  }
0xbc: {  	[sflag:s0] =	ssyncadd.remote.s32 $0x1  }
0xbd: {  	_ =	sfence.sel $0xFFFF  }
0xbe: {  	[dreg:$0x0] =	wrdreg $0xFFFFFFFF;
	(pc) =	sbr.abs _section_cstart, $3  }
0xbf: {  	[dreg:$0x1] =	wrdreg $0xFFFFFFFF  }
0xc0: {  	_ =	task.clear_ibuf [dreg:s6], $0x2FFFF;
	_ =	strace $0x9FFFFFFF  }
0xc1: {  	(tm) =	ssettm $0x7FFFFFFF  }
tec
execute0_lowered:
.L_overlay_start_1:
0x0: {  	(tag) =	ssettag $0x1  }
0x1: {  	s3 =	rddreg [dreg:$0x0]  }
0x2: {  	s0 =	rddreg [dreg:$0x1];
	s4 =	srdreg.scid  }
0x3: {  	s1 =	stileid.u32;
	s2 =	simm.s32 $0x0;
	s11 =	simm.s32 $0x400  }
0x4: {  	s12 =	simm.s32 $0x2400;
	s13 =	simm.s32 $0x2C00;
	s14 =	simm.s32 $0x0  }
0x5: {  	s4 =	sand.u32 $0x1, s4;
	s5 =	sshll.u32 s1, $0x8;
	s7 =	sshrl.u32 s1, $0x2  }
0x6: {  	[smem:$0x7FF] =	sst s2;
	s9 =	sshll.u32 s1, $0xA;
	s6 =	sshll.u32 s4, $0x7  }
0x7: {  	s5 =	sand.u32 $0x300, s5;
	s8 =	sshll.u32 s7, $0xE;
	_ =	strace $0x80000047  }
0x8: {  	s7 =	sshll.u32 s7, $0xF;
	s4 =	ssub.s32 $0x2, s4;
	s5 =	sor.u32 s6, s5  }
0x9: {  	s6 =	sadd.s32 s6, s3;
	s30 =	sshrl.u32 s4, $0x1;
	s8 =	sor.u32 s8, s5  }
0xa: {  	s5 =	sor.u32 s7, s5;
	s7 =	ssub.s32 s4, s30;
	s31 =	sadd.s32 s9, s6  }
0xb: {  	s8 =	sshrl.u32 s8, $0x3;
	s5 =	sshrl.u32 s5, $0x3;
	s4 =	sadd.s32 $0x4300, s31  }
0xc: {  	s7 =	smax.u32 s7, $0x1;
	s8 =	sadd.s32 s8, s3;
	s10 =	sadd.s32 s5, s3  }
0xd: {  	s3 =	sadd.s32 s3, s9;
	s9 =	simm.s32 $0x2000;
	s5 =	sadd.s32 $0x8000, s8  }
0xe: {  	v0 =	vimm.f32 $+Inf;
	s6 =	sadd.s32 $0xA000, s10;
	s8 =	simm.s32 $0x1;
	s10 =	simm.s32 $0x80  }
.LBB2_1:
0xf: {  	[tilespmem:s2], [sflag:$0x1] =	stream.linear.gather [hbm4b:s3+s2], $0x2000, $0x38;
	[tilespmem:$0x3C00] =	vst v63  }
0x10: {  	_ =	swait.ge [sflag:s8], $0x2000  }
0x11: {  	[sflag:s8] =	ssyncset.done $0x0  }
0x12: {  	[sflag:s8] =	ssyncadd.s32 $0xFFFFE000  }
0x13: {  	[tilespmem:s9], [sflag:$0x1] =	stream.linear.gather [hbm4b:s4+s2], $0x400, $0x38;
	[tilespmem:$0x3C00] =	vst v63  }
0x14: {  	_ =	swait.ge [sflag:s8], $0x400  }
0x15: {  	[sflag:s8] =	ssyncset.done $0x0  }
0x16: {  	s15 =	simm.s32 $0x40;
	s16 =	simm.s32 $0x0;
	[sflag:s8] =	ssyncadd.s32 $0xFFFFFC00  }
.LBB2_2:
0x17: {  	p0 =	sne.s32 s15, $0x1FC0;
	[tilespmem:s16+$0x2400] =	vst v0;
	s16 =	smov.u32 s15;
	s15 =	sadd.s32 $0x40, s15  }
.Ltmp0:
0x18: {  	(pc) =	sbr.rel @p0 .LBB2_2-.Ltmp0, $2  }
0x19: {  	_ =	sdelay $0x2  }
0x1a: {  	s16 =	sshra.s32 s16, $0x2  }
0x1b: {  	[tilespmem:s16+$0x2400] =	vst v0;
	s15 =	simm.s32 $0x0;
	s16 =	simm.s32 $0x0  }
.LBB2_4:
0x1c: {  	s17 =	sshll.u32 s16, $0x4;
	s18 =	sshll.u32 s16, $0x6  }
0x1d: {  	s17 =	sand.u32 $0x70, s17;
	s18 =	sand.u32 $0x200, s18  }
0x1e: {  	s17 =	sor.u32 s17, s18  }
0x1f: {  	v3 =	vld [tilespmem:s17+$0x2000]  }
0x20: {  	v2 =	vld [tilespmem:s17+$0x2080]  }
0x21: {  	v1 =	vld [tilespmem:s17+$0x2100];
	_ =	sdelay $0x3  }
0x22: {  	v5 =	vbroadcast v3, $0x0;
	v7 =	vbroadcast v2, $0x0  }
0x23: {  	s30 =	sand.u32 $0x70, s15;
	s31 =	sand.u32 $0x1E00, s15;
	v10 =	vbroadcast v1, $0x0;
	v13 =	vbroadcast v3, $0x1  }
0x24: {  	s17 =	sor.u32 s30, s31;
	v11 =	vbroadcast v2, $0x1;
	v17 =	vbroadcast v1, $0x1  }
0x25: {  	v6 =	vld [tilespmem:s17+$0x100];
	v19 =	vbroadcast v3, $0x2;
	v15 =	vbroadcast v2, $0x2  }
0x26: {  	v21 =	vbroadcast v1, $0x2;
	v24 =	vbroadcast v3, $0x3  }
0x27: {  	v20 =	vbroadcast v2, $0x3;
	v27 =	vbroadcast v1, $0x3  }
0x28: {  	v28 =	vbroadcast v3, $0x4;
	v25 =	vbroadcast v2, $0x4  }
0x29: {  	v4 =	vimm.f32 $+Inf;
	v8 =	vld [tilespmem:s17+$0x0];
	v29 =	vbroadcast v1, $0x4;
	v30 =	vbroadcast v3, $0x5  }
0x2a: {  	v22 =	vbroadcast v2, $0x5;
	v31 =	vbroadcast v1, $0x5;
	v9 =	vsub.f32 v6, v10  }
0x2b: {  	v44 =	vld [tilespmem:s17+$0x80];
	v33 =	vbroadcast v1, $0x6;
	v12 =	vsub.f32 v6, v17;
	v14 =	vsub.f32 v6, v21  }
0x2c: {  	v35 =	vbroadcast v1, $0x7;
	v16 =	vsub.f32 v6, v27;
	v40 =	vsub.f32 v6, v29  }
0x2d: {  	v32 =	vbroadcast v3, $0x6;
	v39 =	vsub.f32 v6, v31;
	v37 =	vsub.f32 v6, v33  }
0x2e: {  	v34 =	vbroadcast v3, $0x7;
	v36 =	vsub.f32 v6, v35;
	v6 =	vsub.f32 v8, v5  }
0x2f: {  	v23 =	vbroadcast v2, $0x6;
	v18 =	vsub.f32 v8, v30;
	v51 =	vsub.f32 v8, v32  }
0x30: {  	v26 =	vbroadcast v2, $0x7;
	v52 =	vsub.f32 v8, v34;
	v53 =	vsub.f32 v44, v7  }
0x31: {  	v38 =	vmul.f32 v9, v9;
	v9 =	vsub.f32 v8, v13;
	v41 =	vmul.f32 v12, v12  }
0x32: {  	v12 =	vsub.f32 v8, v19;
	v42 =	vmul.f32 v14, v14;
	v14 =	vsub.f32 v8, v24  }
0x33: {  	v43 =	vmul.f32 v16, v16;
	v16 =	vsub.f32 v8, v28;
	v45 =	vmul.f32 v6, v6  }
0x34: {  	v49 =	vmul.f32 v18, v18;
	v18 =	vimm.f32 $+Inf;
	v8 =	vimm.f32 $+Inf  }
0x35: {  	v6 =	vimm.f32 $+Inf;
	v46 =	vmul.f32 v9, v9;
	v47 =	vmul.f32 v12, v12  }
0x36: {  	v48 =	vmul.f32 v14, v14;
	v50 =	vmul.f32 v16, v16;
	v16 =	vimm.f32 $+Inf  }
0x37: {  	s18 =	simm.s32 $0x10;
	s17 =	simm.s32 $0x0;
	v14 =	vimm.f32 $+Inf;
	v12 =	vimm.f32 $+Inf;
	v9 =	vimm.f32 $+Inf  }
.LBB2_5:
0x38: {  	p0 =	sne.s32 s18, $0x7F0;
	v54 =	vsub.f32 v44, v11;
	v55 =	vsub.f32 v44, v15;
	v51 =	vmul.f32 v51, v51  }
0x39: {  	v56 =	vsub.f32 v44, v20;
	v57 =	vsub.f32 v44, v25;
	v52 =	vmul.f32 v52, v52  }
0x3a: {  	v58 =	vsub.f32 v44, v22;
	v53 =	vmul.f32 v53, v53;
	v54 =	vmul.f32 v54, v54  }
0x3b: {  	v59 =	vsub.f32 v44, v23;
	v55 =	vmul.f32 v55, v55;
	v56 =	vmul.f32 v56, v56  }
0x3c: {  	v44 =	vsub.f32 v44, v26;
	v57 =	vmul.f32 v57, v57;
	v58 =	vmul.f32 v58, v58  }
0x3d: {  	v45 =	vadd.f32 v53, v45;
	v53 =	vmul.f32 v59, v59;
	v46 =	vadd.f32 v54, v46  }
0x3e: {  	v44 =	vmul.f32 v44, v44;
	v47 =	vadd.f32 v55, v47;
	v48 =	vadd.f32 v56, v48  }
0x3f: {  	v40 =	vmul.f32 v40, v40;
	v50 =	vadd.f32 v57, v50;
	v49 =	vadd.f32 v58, v49  }
0x40: {  	v39 =	vmul.f32 v39, v39;
	v44 =	vadd.f32 v44, v52;
	v51 =	vadd.f32 v53, v51  }
0x41: {  	v37 =	vmul.f32 v37, v37;
	v38 =	vadd.f32 v38, v45;
	v41 =	vadd.f32 v41, v46  }
0x42: {  	v36 =	vmul.f32 v36, v36;
	v42 =	vadd.f32 v42, v47;
	v43 =	vadd.f32 v43, v48  }
0x43: {  	s19 =	sshra.s32 s17, $0x2;
	v40 =	vadd.f32 v40, v50;
	v39 =	vadd.f32 v39, v49;
	v4 =	vmin.f32 v4, v38  }
0x44: {  	v36 =	vadd.f32 v36, v44;
	v37 =	vadd.f32 v37, v51;
	v18 =	vmin.f32 v18, v41;
	v44 =	vld [tilespmem:s19+$0x2400]  }
0x45: {  	v38 =	vmin.f32 v38, v41;
	v16 =	vmin.f32 v16, v42;
	v14 =	vmin.f32 v14, v43  }
0x46: {  	v41 =	vmin.f32 v42, v43;
	v42 =	vmin.f32 v40, v39;
	v43 =	vmin.f32 v37, v36  }
0x47: {  	v12 =	vmin.f32 v12, v40;
	v38 =	vmin.f32 v38, v41;
	v41 =	vmin.f32 v42, v43  }
0x48: {  	s17 =	sadd.s32 $0x40, s17;
	v8 =	vmin.f32 v8, v39;
	v9 =	vmin.f32 v9, v37;
	v38 =	vmin.f32 v38, v41  }
0x49: {  	s20 =	sand.u32 $0x70, s18;
	s21 =	sand.u32 $0x1E00, s17;
	v6 =	vmin.f32 v6, v36;
	v37 =	vmin.f32 v44, v38  }
0x4a: {  	s20 =	sor.u32 s20, s21;
	[tilespmem:s19+$0x2400] =	vst v37  }
0x4b: {  	v36 =	vld [tilespmem:s20+$0x100];
	_ =	sdelay $0x3  }
0x4c: {  	v49 =	vld [tilespmem:s20+$0x0]  }
0x4d: {  	v37 =	vsub.f32 v36, v10;
	v41 =	vsub.f32 v36, v17  }
0x4e: {  	v42 =	vsub.f32 v36, v21;
	v43 =	vsub.f32 v36, v27  }
0x4f: {  	v40 =	vsub.f32 v36, v29;
	v39 =	vsub.f32 v36, v31  }
0x50: {  	v38 =	vmul.f32 v37, v37;
	v37 =	vsub.f32 v36, v33;
	v36 =	vsub.f32 v36, v35  }
0x51: {  	v41 =	vmul.f32 v41, v41;
	v44 =	vld [tilespmem:s20+$0x80];
	v45 =	vsub.f32 v49, v5;
	v46 =	vsub.f32 v49, v13  }
.Ltmp1:
0x52: {  	v42 =	vmul.f32 v42, v42;
	v47 =	vsub.f32 v49, v19;
	v48 =	vsub.f32 v49, v24;
	(pc) =	sbr.rel @p0 .LBB2_5-.Ltmp1, $4  }
0x53: {  	v43 =	vmul.f32 v43, v43;
	v50 =	vsub.f32 v49, v28;
	v54 =	vsub.f32 v49, v30  }
0x54: {  	v51 =	vsub.f32 v49, v32;
	v45 =	vmul.f32 v45, v45;
	v46 =	vmul.f32 v46, v46  }
0x55: {  	v52 =	vsub.f32 v49, v34;
	v47 =	vmul.f32 v47, v47;
	v48 =	vmul.f32 v48, v48  }
0x56: {  	s18 =	sadd.s32 $0x10, s18;
	v50 =	vmul.f32 v50, v50;
	v49 =	vmul.f32 v54, v54;
	v53 =	vsub.f32 v44, v7  }
0x57: {  	v5 =	vsub.f32 v44, v11;
	v7 =	vsub.f32 v44, v15;
	v10 =	vmul.f32 v51, v51  }
0x58: {  	v11 =	vsub.f32 v44, v20;
	v13 =	vsub.f32 v44, v25;
	v15 =	vmul.f32 v52, v52  }
0x59: {  	v19 =	vsub.f32 v44, v22;
	v17 =	vmul.f32 v53, v53;
	v5 =	vmul.f32 v5, v5  }
0x5a: {  	v20 =	vsub.f32 v44, v23;
	v7 =	vmul.f32 v7, v7;
	v11 =	vmul.f32 v11, v11  }
0x5b: {  	v21 =	vsub.f32 v44, v26;
	v13 =	vmul.f32 v13, v13;
	v19 =	vmul.f32 v19, v19  }
0x5c: {  	v20 =	vmul.f32 v20, v20;
	v17 =	vadd.f32 v17, v45;
	v5 =	vadd.f32 v5, v46  }
0x5d: {  	v21 =	vmul.f32 v21, v21;
	v7 =	vadd.f32 v7, v47;
	v11 =	vadd.f32 v11, v48  }
0x5e: {  	v22 =	vmul.f32 v40, v40;
	v13 =	vadd.f32 v13, v50;
	v19 =	vadd.f32 v19, v49  }
0x5f: {  	v23 =	vmul.f32 v39, v39;
	v10 =	vadd.f32 v20, v10;
	v15 =	vadd.f32 v21, v15  }
0x60: {  	v20 =	vmul.f32 v37, v37;
	v17 =	vadd.f32 v38, v17;
	v5 =	vadd.f32 v41, v5  }
0x61: {  	v21 =	vmul.f32 v36, v36;
	v7 =	vadd.f32 v42, v7;
	v11 =	vadd.f32 v43, v11  }
0x62: {  	s17 =	sshra.s32 s17, $0x2;
	v13 =	vadd.f32 v22, v13;
	v19 =	vadd.f32 v23, v19  }
0x63: {  	v10 =	vadd.f32 v20, v10;
	v15 =	vadd.f32 v21, v15;
	v20 =	vld [tilespmem:s17+$0x2400]  }
0x64: {  	v21 =	vmin.f32 v17, v5  }
0x65: {  	v22 =	vmin.f32 v7, v11;
	v23 =	vmin.f32 v13, v19;
	v24 =	vmin.f32 v10, v15  }
0x66: {  	v21 =	vmin.f32 v21, v22;
	v22 =	vmin.f32 v23, v24  }
0x67: {  	v21 =	vmin.f32 v21, v22  }
0x68: {  	s18 =	sshll.u32 s16, $0x8;
	v20 =	vmin.f32 v20, v21  }
0x69: {  	v4 =	vmin.f32 v4, v17;
	[tilespmem:s17+$0x2400] =	vst v20;
	s17 =	sand.u32 $0x3FFFFF00, s18  }
0x6a: {  	v5 =	vmin.f32 v18, v5;
	[tilespmem:s17+$0x2C00] =	vst v4  }
0x6b: {  	v4 =	vmin.f32 v16, v7;
	[tilespmem:s17+$0x2C10] =	vst v5  }
0x6c: {  	v5 =	vmin.f32 v14, v11;
	[tilespmem:s17+$0x2C20] =	vst v4  }
0x6d: {  	v25 =	vbroadcast v3, $0xC;
	v26 =	vbroadcast v1, $0xC;
	v7 =	vmin.f32 v12, v13;
	[tilespmem:s17+$0x2C30] =	vst v5  }
0x6e: {  	v27 =	vbroadcast v3, $0xD;
	v28 =	vbroadcast v1, $0xD;
	v11 =	vmin.f32 v8, v19;
	[tilespmem:s17+$0x2C40] =	vst v7  }
0x6f: {  	v29 =	vbroadcast v3, $0xE;
	v30 =	vbroadcast v1, $0xE;
	s18 =	simm.s32 $0x0;
	v12 =	vmin.f32 v9, v10;
	[tilespmem:s17+$0x2C50] =	vst v11  }
0x70: {  	v31 =	vbroadcast v3, $0xF;
	v18 =	vbroadcast v1, $0xA;
	s19 =	sand.u32 $0x70, s18;
	s20 =	sand.u32 $0x1E00, s18;
	v11 =	vmin.f32 v6, v15;
	[tilespmem:s17+$0x2C60] =	vst v12  }
0x71: {  	v17 =	vbroadcast v2, $0xB;
	v24 =	vbroadcast v1, $0xB;
	s19 =	sor.u32 s19, s20;
	[tilespmem:s17+$0x2C70] =	vst v11  }
0x72: {  	v23 =	vbroadcast v2, $0xF;
	v22 =	vbroadcast v2, $0xC;
	v11 =	vld [tilespmem:s19+$0x100]  }
0x73: {  	v21 =	vbroadcast v3, $0xB;
	v20 =	vbroadcast v2, $0xE  }
0x74: {  	v8 =	vbroadcast v3, $0x9;
	v9 =	vbroadcast v2, $0x9  }
0x75: {  	v10 =	vbroadcast v1, $0x9;
	v7 =	vbroadcast v1, $0x8  }
0x76: {  	v13 =	vbroadcast v3, $0xA;
	v19 =	vbroadcast v2, $0xD;
	v12 =	vld [tilespmem:s19+$0x0]  }
0x77: {  	v4 =	vbroadcast v3, $0x8;
	v5 =	vbroadcast v2, $0x8;
	v3 =	vsub.f32 v11, v7  }
0x78: {  	v6 =	vbroadcast v2, $0xA;
	v41 =	vld [tilespmem:s19+$0x80];
	v2 =	vsub.f32 v11, v10;
	v14 =	vsub.f32 v11, v18  }
0x79: {  	v32 =	vbroadcast v1, $0xF;
	v15 =	vsub.f32 v11, v24;
	v37 =	vsub.f32 v11, v26  }
0x7a: {  	v36 =	vsub.f32 v11, v28;
	v34 =	vsub.f32 v11, v30  }
0x7b: {  	v33 =	vsub.f32 v11, v32;
	v11 =	vsub.f32 v12, v8  }
0x7c: {  	v16 =	vsub.f32 v12, v27;
	v48 =	vsub.f32 v12, v29  }
0x7d: {  	v1 =	vimm.f32 $+Inf;
	v49 =	vsub.f32 v12, v31;
	v50 =	vsub.f32 v41, v5  }
0x7e: {  	v35 =	vmul.f32 v3, v3;
	v3 =	vsub.f32 v12, v4;
	v38 =	vmul.f32 v2, v2  }
0x7f: {  	v2 =	vsub.f32 v12, v13;
	v39 =	vmul.f32 v14, v14;
	v14 =	vsub.f32 v12, v21  }
0x80: {  	v40 =	vmul.f32 v15, v15;
	v15 =	vsub.f32 v12, v25;
	v43 =	vmul.f32 v11, v11  }
0x81: {  	v46 =	vmul.f32 v16, v16;
	v16 =	vimm.f32 $+Inf;
	v11 =	vimm.f32 $+Inf  }
0x82: {  	v12 =	vimm.f32 $+Inf;
	v42 =	vmul.f32 v3, v3;
	v44 =	vmul.f32 v2, v2  }
0x83: {  	v45 =	vmul.f32 v14, v14;
	v47 =	vmul.f32 v15, v15;
	v15 =	vimm.f32 $+Inf  }
0x84: {  	s19 =	simm.s32 $0x10;
	v14 =	vimm.f32 $+Inf;
	v3 =	vimm.f32 $+Inf;
	v2 =	vimm.f32 $+Inf  }
.LBB2_7:
0x85: {  	p0 =	sne.s32 s19, $0x7F0;
	v51 =	vsub.f32 v41, v9;
	v52 =	vsub.f32 v41, v6;
	v48 =	vmul.f32 v48, v48  }
0x86: {  	v53 =	vsub.f32 v41, v17;
	v54 =	vsub.f32 v41, v22;
	v49 =	vmul.f32 v49, v49  }
0x87: {  	v55 =	vsub.f32 v41, v19;
	v50 =	vmul.f32 v50, v50;
	v51 =	vmul.f32 v51, v51  }
0x88: {  	v56 =	vsub.f32 v41, v20;
	v52 =	vmul.f32 v52, v52;
	v53 =	vmul.f32 v53, v53  }
0x89: {  	v41 =	vsub.f32 v41, v23;
	v54 =	vmul.f32 v54, v54;
	v55 =	vmul.f32 v55, v55  }
0x8a: {  	v42 =	vadd.f32 v50, v42;
	v50 =	vmul.f32 v56, v56;
	v43 =	vadd.f32 v51, v43  }
0x8b: {  	v41 =	vmul.f32 v41, v41;
	v44 =	vadd.f32 v52, v44;
	v45 =	vadd.f32 v53, v45  }
0x8c: {  	v37 =	vmul.f32 v37, v37;
	v47 =	vadd.f32 v54, v47;
	v46 =	vadd.f32 v55, v46  }
0x8d: {  	v36 =	vmul.f32 v36, v36;
	v41 =	vadd.f32 v41, v49;
	v48 =	vadd.f32 v50, v48  }
0x8e: {  	v34 =	vmul.f32 v34, v34;
	v35 =	vadd.f32 v35, v42;
	v38 =	vadd.f32 v38, v43  }
0x8f: {  	v33 =	vmul.f32 v33, v33;
	v39 =	vadd.f32 v39, v44;
	v40 =	vadd.f32 v40, v45  }
0x90: {  	s20 =	sshra.s32 s18, $0x2;
	v37 =	vadd.f32 v37, v47;
	v36 =	vadd.f32 v36, v46;
	v1 =	vmin.f32 v1, v35  }
0x91: {  	v33 =	vadd.f32 v33, v41;
	v34 =	vadd.f32 v34, v48;
	v16 =	vmin.f32 v16, v38;
	v41 =	vld [tilespmem:s20+$0x2400]  }
0x92: {  	v35 =	vmin.f32 v35, v38;
	v15 =	vmin.f32 v15, v39;
	v14 =	vmin.f32 v14, v40  }
0x93: {  	v38 =	vmin.f32 v39, v40;
	v39 =	vmin.f32 v37, v36;
	v40 =	vmin.f32 v34, v33  }
0x94: {  	v11 =	vmin.f32 v11, v37;
	v35 =	vmin.f32 v35, v38;
	v38 =	vmin.f32 v39, v40  }
0x95: {  	s18 =	sadd.s32 $0x40, s18;
	v12 =	vmin.f32 v12, v36;
	v3 =	vmin.f32 v3, v34;
	v35 =	vmin.f32 v35, v38  }
0x96: {  	s21 =	sand.u32 $0x70, s19;
	s22 =	sand.u32 $0x1E00, s18;
	v2 =	vmin.f32 v2, v33;
	v34 =	vmin.f32 v41, v35  }
0x97: {  	s21 =	sor.u32 s21, s22;
	[tilespmem:s20+$0x2400] =	vst v34  }
0x98: {  	v33 =	vld [tilespmem:s21+$0x100];
	_ =	sdelay $0x3  }
0x99: {  	v46 =	vld [tilespmem:s21+$0x0]  }
0x9a: {  	v34 =	vsub.f32 v33, v7;
	v38 =	vsub.f32 v33, v10  }
0x9b: {  	v39 =	vsub.f32 v33, v18;
	v40 =	vsub.f32 v33, v24  }
0x9c: {  	v37 =	vsub.f32 v33, v26;
	v36 =	vsub.f32 v33, v28  }
0x9d: {  	v35 =	vmul.f32 v34, v34;
	v34 =	vsub.f32 v33, v30;
	v33 =	vsub.f32 v33, v32  }
0x9e: {  	v38 =	vmul.f32 v38, v38;
	v41 =	vld [tilespmem:s21+$0x80];
	v42 =	vsub.f32 v46, v4;
	v43 =	vsub.f32 v46, v8  }
.Ltmp2:
0x9f: {  	v39 =	vmul.f32 v39, v39;
	v44 =	vsub.f32 v46, v13;
	v45 =	vsub.f32 v46, v21;
	(pc) =	sbr.rel @p0 .LBB2_7-.Ltmp2, $4  }
0xa0: {  	v40 =	vmul.f32 v40, v40;
	v47 =	vsub.f32 v46, v25;
	v51 =	vsub.f32 v46, v27  }
0xa1: {  	v48 =	vsub.f32 v46, v29;
	v42 =	vmul.f32 v42, v42;
	v43 =	vmul.f32 v43, v43  }
0xa2: {  	v49 =	vsub.f32 v46, v31;
	v44 =	vmul.f32 v44, v44;
	v45 =	vmul.f32 v45, v45  }
0xa3: {  	s19 =	sadd.s32 $0x10, s19;
	v47 =	vmul.f32 v47, v47;
	v46 =	vmul.f32 v51, v51;
	v50 =	vsub.f32 v41, v5  }
0xa4: {  	v4 =	vsub.f32 v41, v9;
	v5 =	vsub.f32 v41, v6;
	v51 =	vmul.f32 v48, v48  }
0xa5: {  	v7 =	vsub.f32 v41, v17;
	v8 =	vsub.f32 v41, v22;
	v52 =	vmul.f32 v49, v49  }
0xa6: {  	v13 =	vsub.f32 v41, v19;
	v10 =	vmul.f32 v50, v50;
	v4 =	vmul.f32 v4, v4  }
0xa7: {  	v53 =	vsub.f32 v41, v20;
	v5 =	vmul.f32 v5, v5;
	v7 =	vmul.f32 v7, v7  }
0xa8: {  	v18 =	vsub.f32 v41, v23;
	v8 =	vmul.f32 v8, v8;
	v13 =	vmul.f32 v13, v13  }
0xa9: {  	v17 =	vmul.f32 v53, v53;
	v10 =	vadd.f32 v10, v42;
	v4 =	vadd.f32 v4, v43  }
0xaa: {  	v18 =	vmul.f32 v18, v18;
	v5 =	vadd.f32 v5, v44;
	v7 =	vadd.f32 v7, v45  }
0xab: {  	v54 =	vmul.f32 v37, v37;
	v8 =	vadd.f32 v8, v47;
	v13 =	vadd.f32 v13, v46  }
0xac: {  	v55 =	vmul.f32 v36, v36;
	v6 =	vadd.f32 v17, v51;
	v9 =	vadd.f32 v18, v52  }
0xad: {  	v56 =	vmul.f32 v34, v34;
	v10 =	vadd.f32 v35, v10;
	v4 =	vadd.f32 v38, v4  }
0xae: {  	v57 =	vmul.f32 v33, v33;
	v5 =	vadd.f32 v39, v5;
	v7 =	vadd.f32 v40, v7  }
0xaf: {  	s18 =	sshra.s32 s18, $0x2;
	v8 =	vadd.f32 v54, v8;
	v13 =	vadd.f32 v55, v13  }
0xb0: {  	v58 =	vld [tilespmem:s18+$0x2400];
	v6 =	vadd.f32 v56, v6;
	v9 =	vadd.f32 v57, v9  }
0xb1: {  	v59 =	vmin.f32 v10, v4  }
0xb2: {  	v60 =	vmin.f32 v5, v7;
	v20 =	vmin.f32 v8, v13;
	v21 =	vmin.f32 v6, v9  }
0xb3: {  	v18 =	vmin.f32 v59, v60;
	v61 =	vmin.f32 v20, v21  }
0xb4: {  	v18 =	vmin.f32 v18, v61  }
0xb5: {  	v17 =	vmin.f32 v58, v18  }
0xb6: {  	v1 =	vmin.f32 v1, v10;
	[tilespmem:s18+$0x2400] =	vst v17  }
0xb7: {  	v4 =	vmin.f32 v16, v4;
	[tilespmem:s17+$0x2C80] =	vst v1  }
0xb8: {  	s16 =	sadd.s32 $0x1, s16;
	v62 =	vmin.f32 v14, v7;
	[tilespmem:s17+$0x2C90] =	vst v4  }
0xb9: {  	p0 =	sne.s32 s16, $0x10;
	v63 =	vmin.f32 v12, v13;
	[tilespmem:s17+$0x2CB0] =	vst v62  }
.Ltmp3:
0xba: {  	v2 =	vmin.f32 v2, v9;
	[tilespmem:s17+$0x2CD0] =	vst v63;
	(pc) =	sbr.rel @p0 .LBB2_4-.Ltmp3, $4  }
0xbb: {  	v1 =	vmin.f32 v15, v5;
	[tilespmem:s17+$0x2CF0] =	vst v2  }
0xbc: {  	[tilespmem:s17+$0x2CA0] =	vst v1;
	v1 =	vmin.f32 v11, v8  }
0xbd: {  	[tilespmem:s17+$0x2CC0] =	vst v1;
	v1 =	vmin.f32 v3, v6  }
0xbe: {  	[tilespmem:s17+$0x2CE0] =	vst v1  }
0xbf: {  	[hbm4b:s5+s10] =	stream.strided.scatter [tilespmem:s12], [sflag:$0x1], $0x800, s11, s10, $0x38;
	[tilespmem:$0x3C00] =	vst v63  }
0xc0: {  	s14 =	sadd.s32 $0x1, s14;
	_ =	swait.ge [sflag:s8], $0x800  }
0xc1: {  	p0 =	sne.s32 s14, s7;
	[sflag:s8] =	ssyncset.done $0x0  }
.Ltmp4:
0xc2: {  	[sflag:s8] =	ssyncadd.s32 $0xFFFFF800;
	(pc) =	sbr.rel @p0 .LBB2_1-.Ltmp4, $4  }
0xc3: {  	[hbm4b:s6+s10] =	stream.strided.scatter [tilespmem:s13], [sflag:$0x1], $0x1000, s11, s10, $0x38;
	[tilespmem:$0x3C00] =	vst v63  }
0xc4: {  	_ =	swait.ge [sflag:s8], $0x1000  }
0xc5: {  	[sflag:s8] =	ssyncset.done $0x0  }
0xc6: {  	[sflag:s8] =	ssyncadd.s32 $0xFFFFF000  }
0xc7: {  	_ =	sfence.sel $0x180000  }
0xc8: {  	[bflag:$0x0] =	sbarrier.arrive $0xFFFF  }
0xc9: {  	p0 =	sne.s32 s1, $0x0;
	_ =	strace $0x90000047  }
0xca: {  	s0 =	sadd.s32 @!p0 $0x100000, s0;
	[bflag:$0x2] =	sbarrier.arrive $0xFFFF  }
0xcb: {  	[sflag:s0] =	ssyncadd.tile.s32 @!p0 $0x1;
	_ =	shalt  }
.Lfunc_end2:
_tile_overlayer_lowered:
.L_overlay_start_2:
0xcc: {  	(tag) =	ssettag $0x2  }
0xcd: {  	s0 =	rddreg [dreg:$0x0];
	s2 =	stileid.u32  }
0xce: {  	s1 =	rddreg [dreg:$0x1];
	p0 =	sne.s32 s2, $0x0  }
0xcf: {  	s3 =	rddreg [dreg:$0x2];
	[bflag:$0x3] =	sbarrier.arrive $0xFFFF;
	s2 =	simm.s32 @!p0 $0x1C01  }
0xd0: {  	[timem:s3], [sflag:s2] =	dma.local @!p0 [hbm:s0], s1  }
0xd1: {  	s0 =	simm.s32 @!p0 $0x1  }
0xd2: {  	_ =	swait.ge @!p0 [sflag:s0], s1  }
0xd3: {  	s1 =	ssub.s32 @!p0 $0x0, s1;
	[sflag:s0] =	ssyncset.done @!p0 $0x0  }
0xd4: {  	[sflag:s0] =	ssyncadd.s32 @!p0 s1  }
0xd5: {  	[bflag:$0x3] =	sbarrier.arrive $0xFFFF  }
0xd6: {  	_ =	shalt  }

</sc_bundles>
